<compile_context>
chip_gen: v7x
topology: tpu7x:2x2x1
jax: 0.10.2.dev20260603
libtpu: 0.0.44.dev20260713+nightly
codegen_flags: <defaults>
</compile_context>

<pallas_src>
import functools

import jax
import jax.numpy as jnp
from jax import lax
from jax.experimental import pallas as pl
from jax.experimental.pallas import tpu as pltpu
from jax.experimental.pallas import tpu_sc as plsc

N_NODES = 50000
N_BATCH = 1024
ROWS = N_NODES + N_BATCH
ROWS_PAD = 51072
D = 64
H = 32
E_EDGES = 800000
E_TOTAL = E_EDGES + N_NODES
NUM_TILES = 16
CHUNK = 416
EP = 851968
TE = EP // NUM_TILES
ITERS = TE // CHUNK
RPT = ROWS_PAD // NUM_TILES

RP4 = ROWS_PAD // 4
BLK4 = 1824
GRID = RP4 // BLK4


def _make_agg():
    mesh = plsc.VectorSubcoreMesh(core_axis_name="c", subcore_axis_name="s")

    @functools.partial(
        pl.kernel,
        mesh=mesh,
        compiler_params=pltpu.CompilerParams(use_tc_tiling_on_sc=False),
        out_type=[
            jax.ShapeDtypeStruct((ROWS_PAD, H), jnp.float32),
            jax.ShapeDtypeStruct((ROWS_PAD, H), jnp.float32),
        ],
        scratch_types=[
            pltpu.VMEM((CHUNK,), jnp.int32),
            pltpu.VMEM((CHUNK,), jnp.int32),
            pltpu.VMEM((CHUNK,), jnp.int32),
            pltpu.VMEM((CHUNK,), jnp.int32),
            pltpu.VMEM((CHUNK, H), jnp.float32),
            pltpu.VMEM((CHUNK, H), jnp.float32),
            pltpu.VMEM_SHARED((ROWS_PAD, H), jnp.float32),
            pltpu.SemaphoreType.DMA,
            pltpu.SemaphoreType.DMA,
            pltpu.SemaphoreType.DMA,
            pltpu.SemaphoreType.DMA,
            pltpu.SemaphoreType.DMA,
            pltpu.SemaphoreType.DMA,
        ],
    )
    def agg(h0_hbm, h1_hbm, src_hbm, dst_hbm, zeros_hbm,
            out0, out1,
            sv0, sv1, dv0, dv1, rw0, rw1, acc,
            si0, si1, sg0, sg1, ss0, ss1):
        c = lax.axis_index("c")
        s = lax.axis_index("s")
        srcv = (sv0, sv1)
        dstv = (dv0, dv1)
        rows = (rw0, rw1)
        s_idx = (si0, si1)
        s_g = (sg0, sg1)
        s_s = (ss0, ss1)
        base = s * TE

        def load_idx(i, k):
            e0 = base + i * CHUNK
            pltpu.async_copy(src_hbm.at[pl.ds(e0, CHUNK)], srcv[k], s_idx[k])
            pltpu.async_copy(dst_hbm.at[pl.ds(e0, CHUNK)], dstv[k], s_idx[k])

        load_idx(0, 0)
        pltpu.sync_copy(zeros_hbm.at[pl.ds(s * RPT, RPT)],
                        acc.at[pl.ds(s * RPT, RPT)])
        plsc.subcore_barrier()

        @pl.loop(0, ITERS, step=2)
        def _(i0):
            for j in range(2):
                i = i0 + j
                k = j % 2
                o = (j + 1) % 2

                e0 = base + i * CHUNK
                pltpu.make_async_copy(
                    src_hbm.at[pl.ds(e0, CHUNK)], srcv[k], s_idx[k]).wait()
                pltpu.make_async_copy(
                    dst_hbm.at[pl.ds(e0, CHUNK)], dstv[k], s_idx[k]).wait()

                @pl.when(c == 0)
                def _():
                    pltpu.async_copy(h0_hbm.at[srcv[k]], rows[k], s_g[k])

                @pl.when(c == 1)
                def _():
                    pltpu.async_copy(h1_hbm.at[srcv[k]], rows[k], s_g[k])

                @pl.when(i >= 1)
                def _():
                    pltpu.make_async_copy(
                        rows[o], acc.at[dstv[o]], s_s[o]).wait()

                @pl.when(i + 1 < ITERS)
                def _():
                    load_idx(i + 1, o)

                @pl.when(c == 0)
                def _():
                    pltpu.make_async_copy(
                        h0_hbm.at[srcv[k]], rows[k], s_g[k]).wait()

                @pl.when(c == 1)
                def _():
                    pltpu.make_async_copy(
                        h1_hbm.at[srcv[k]], rows[k], s_g[k]).wait()

                pltpu.async_copy(rows[k], acc.at[dstv[k]], s_s[k], add=True)

        pltpu.make_async_copy(rows[1], acc.at[dstv[1]], s_s[1]).wait()
        plsc.subcore_barrier()

        @pl.when(c == 0)
        def _():
            pltpu.sync_copy(acc.at[pl.ds(s * RPT, RPT)],
                            out0.at[pl.ds(s * RPT, RPT)])

        @pl.when(c == 1)
        def _():
            pltpu.sync_copy(acc.at[pl.ds(s * RPT, RPT)],
                            out1.at[pl.ds(s * RPT, RPT)])

    return agg


_agg = _make_agg()




def _init_body(x_ref, wlo_ref, whi_ref, ones_ref, blo_ref, bhi_ref,
               olo_ref, ohi_ref):
    x = x_ref[...]
    zl = jnp.dot(x, wlo_ref[...], preferred_element_type=jnp.float32)
    zh = jnp.dot(x, whi_ref[...], preferred_element_type=jnp.float32)
    zl = jnp.maximum(zl + blo_ref[...], 0.0)
    zh = jnp.maximum(zh + bhi_ref[...], 0.0)
    s = jnp.dot(zl * zl + zh * zh, ones_ref[...],
                preferred_element_type=jnp.float32)
    inv = 1.0 / jnp.maximum(jnp.sqrt(s), 1e-12)
    olo_ref[...] = zl * inv
    ohi_ref[...] = zh * inv


def _init_call(xp, wlo, whi, ones_bd, blo, bhi):
    return pl.pallas_call(
        _init_body,
        grid=(GRID,),
        in_specs=[
            pl.BlockSpec((BLK4, 8), lambda i: (i, 0)),
            pl.BlockSpec((8, 128), lambda i: (0, 0)),
            pl.BlockSpec((8, 128), lambda i: (0, 0)),
            pl.BlockSpec((128, 128), lambda i: (0, 0)),
            pl.BlockSpec((1, 128), lambda i: (0, 0)),
            pl.BlockSpec((1, 128), lambda i: (0, 0)),
        ],
        out_specs=[
            pl.BlockSpec((BLK4, 128), lambda i: (i, 0)),
            pl.BlockSpec((BLK4, 128), lambda i: (i, 0)),
        ],
        out_shape=[
            jax.ShapeDtypeStruct((RP4, 128), jnp.float32),
            jax.ShapeDtypeStruct((RP4, 128), jnp.float32),
        ],
    )(xp, wlo, whi, ones_bd, blo, bhi)


def _dense_body(hlo_ref, hhi_ref, alo_ref, ahi_ref, wlo_ref, whi_ref,
                ones_ref, blo_ref, bhi_ref, olo_ref, ohi_ref):
    x4 = jnp.concatenate(
        [hlo_ref[...], hhi_ref[...], alo_ref[...], ahi_ref[...]], axis=1)
    zl = jnp.dot(x4, wlo_ref[...], preferred_element_type=jnp.float32)
    zh = jnp.dot(x4, whi_ref[...], preferred_element_type=jnp.float32)
    zl = jnp.maximum(zl + blo_ref[...], 0.0)
    zh = jnp.maximum(zh + bhi_ref[...], 0.0)
    s = jnp.dot(zl * zl + zh * zh, ones_ref[...],
                preferred_element_type=jnp.float32)
    inv = 1.0 / jnp.maximum(jnp.sqrt(s), 1e-12)
    olo_ref[...] = zl * inv
    ohi_ref[...] = zh * inv


def _dense_call(h_lo, h_hi, a_lo, a_hi, wlo, whi, ones_bd, blo, bhi):
    return pl.pallas_call(
        _dense_body,
        grid=(GRID,),
        in_specs=[
            pl.BlockSpec((BLK4, 128), lambda i: (i, 0)),
            pl.BlockSpec((BLK4, 128), lambda i: (i, 0)),
            pl.BlockSpec((BLK4, 128), lambda i: (i, 0)),
            pl.BlockSpec((BLK4, 128), lambda i: (i, 0)),
            pl.BlockSpec((512, 128), lambda i: (0, 0)),
            pl.BlockSpec((512, 128), lambda i: (0, 0)),
            pl.BlockSpec((128, 128), lambda i: (0, 0)),
            pl.BlockSpec((1, 128), lambda i: (0, 0)),
            pl.BlockSpec((1, 128), lambda i: (0, 0)),
        ],
        out_specs=[
            pl.BlockSpec((BLK4, 128), lambda i: (i, 0)),
            pl.BlockSpec((BLK4, 128), lambda i: (i, 0)),
        ],
        out_shape=[
            jax.ShapeDtypeStruct((RP4, 128), jnp.float32),
            jax.ShapeDtypeStruct((RP4, 128), jnp.float32),
        ],
    )(h_lo, h_hi, a_lo, a_hi, wlo, whi, ones_bd, blo, bhi)


def kernel(input_features, input_feature_s, W1, W2, W3, lin_W, lin_b,
           edge_index, batch_ids, depth):
    f32 = jnp.float32
    dst = edge_index[0].astype(jnp.int32)
    src = edge_index[1].astype(jnp.int32)

    pad = EP - E_TOTAL
    seg_src = jnp.minimum(jnp.arange(N_NODES + pad, dtype=jnp.int32),
                          N_NODES - 1)
    seg_dst = jnp.concatenate([batch_ids.astype(jnp.int32) + N_NODES,
                               jnp.full((pad,), ROWS, jnp.int32)])
    src_full = jnp.concatenate(
        [src.reshape(E_EDGES // 128, 128),
         seg_src.reshape((N_NODES + pad) // 128, 128)]).reshape(EP)
    dst_full = jnp.concatenate(
        [dst.reshape(E_EDGES // 128, 128),
         seg_dst.reshape((N_NODES + pad) // 128, 128)]).reshape(EP)
    zeros = jnp.zeros((ROWS_PAD, H), f32)

    x_full = jnp.concatenate([
        input_features.astype(f32),
        input_feature_s.astype(f32),
        jnp.zeros((ROWS_PAD - ROWS, 2), f32),
    ])
    xp = x_full.reshape(RP4, 8)

    eye4 = jnp.eye(4, dtype=f32)

    def bd(k):
        return jnp.kron(eye4, k.astype(f32))

    W1f = W1.astype(f32)
    w1lo = bd(W1f[:, :H])
    w1hi = bd(W1f[:, H:])
    m2 = jnp.dot(W2.astype(f32), lin_W.astype(f32)[:D])
    m3 = jnp.dot(W3.astype(f32), lin_W.astype(f32)[D:])
    wlo = jnp.concatenate(
        [bd(m2[:H, :H]), bd(m2[H:, :H]), bd(m3[:H, :H]), bd(m3[H:, :H])],
        axis=0)
    whi = jnp.concatenate(
        [bd(m2[:H, H:]), bd(m2[H:, H:]), bd(m3[:H, H:]), bd(m3[H:, H:])],
        axis=0)
    ones_bd = bd(jnp.ones((H, H), f32))
    blo = jnp.tile(lin_b.astype(f32)[:H], 4).reshape(1, 128)
    bhi = jnp.tile(lin_b.astype(f32)[H:], 4).reshape(1, 128)
    zb = jnp.zeros((1, 128), f32)

    h_lo, h_hi = _init_call(xp, w1lo, w1hi, ones_bd, zb, zb)

    def step(_, carry):
        h_lo, h_hi = carry
        a_lo, a_hi = _agg(h_lo.reshape(ROWS_PAD, H), h_hi.reshape(ROWS_PAD, H),
                          src_full, dst_full, zeros)
        return tuple(_dense_call(h_lo, h_hi,
                                 a_lo.reshape(RP4, 128),
                                 a_hi.reshape(RP4, 128),
                                 wlo, whi, ones_bd, blo, bhi))

    h_lo, h_hi = lax.fori_loop(0, depth, step, (h_lo, h_hi))
    hh = jnp.concatenate([h_lo.reshape(ROWS_PAD, H),
                          h_hi.reshape(ROWS_PAD, H)], axis=1)
    return hh[:N_NODES], hh[N_NODES:ROWS]

# --- scband reference (transcript-rebuilt; emitter-appended) ---
"""Pipeline reference for scband-encoding-78984448574059 (READ-ONLY COPY).

The authoritative reference and input builder live on the scoring server;
editing this copy changes nothing except your own understanding.
"""

import jax, jax.numpy as jnp
import numpy as np

N = 50000
E = 800000
B = 1024
D_IN = 2
D = 64
DEPTH = 3


def _normalize(x):
    # torch.nn.functional.normalize(p=2, dim=1, eps=1e-12)
    n = jnp.sqrt(jnp.sum(x * x, axis=1, keepdims=True))
    return x / jnp.maximum(n, 1e-12)


def setup_inputs(seed: int = 0):
    key = jax.random.key(seed)
    ks = jax.random.split(key, 10)
    edge_index = jax.random.randint(ks[0], (2, E), 0, N)
    batch_ids = jnp.sort(jax.random.randint(ks[1], (N,), 0, B))
    input_features = jax.random.uniform(ks[2], (N, D_IN), dtype=jnp.float32)
    input_feature_s = jax.random.uniform(ks[3], (B, D_IN), dtype=jnp.float32)
    W1 = jax.random.normal(ks[4], (D_IN, D), dtype=jnp.float32) * 0.1
    W2 = jax.random.normal(ks[5], (D, D), dtype=jnp.float32) * 0.1
    W3 = jax.random.normal(ks[6], (D, D), dtype=jnp.float32) * 0.1
    lin_W = jax.random.normal(ks[7], (2 * D, D), dtype=jnp.float32) * 0.05
    lin_b = jnp.zeros((D,), dtype=jnp.float32)
    return {
        "input_features": input_features,
        "input_feature_s": input_feature_s,
        "W1": W1,
        "W2": W2,
        "W3": W3,
        "lin_W": lin_W,
        "lin_b": lin_b,
        "edge_index": edge_index,
        "batch_ids": batch_ids,
        "depth": DEPTH,
    }


def reference(input_features, input_feature_s, W1, W2, W3, lin_W, lin_b, edge_index, batch_ids, depth):
    n_nodes = input_features.shape[0]
    n_batch = input_feature_s.shape[0]
    d = W2.shape[0]
    dst = edge_index[0]
    src = edge_index[1]
    # h_v_0 = relu(X @ W1); normalize
    h = _normalize(jax.nn.relu(input_features @ W1))
    hs = _normalize(jax.nn.relu(input_feature_s @ W1))

    def _step(_, carry):
        h, hs = carry
        # sparse.mm(node_node, h): out[i] = sum_j A[i,j] h[j]  -> scatter-add over edges
        h_nv = jnp.zeros((n_nodes, d), dtype=h.dtype).at[dst].add(h[src])
        # sparse.mm(batch_node, h): segment sum of node features into batches
        h_nv_s = jax.ops.segment_sum(h, batch_ids, num_segments=n_batch)
        h_new = _normalize(jax.nn.relu(jnp.concatenate([h @ W2, h_nv @ W3], axis=1) @ lin_W + lin_b))
        hs_new = _normalize(jax.nn.relu(jnp.concatenate([hs @ W2, h_nv_s @ W3], axis=1) @ lin_W + lin_b))
        return (h_new, hs_new)

    h, hs = jax.lax.fori_loop(0, depth, _step, (h, hs))
    return (h, hs)

if __name__ == "__main__":
    import jax
    _d = setup_inputs()
    print(jax.jit(kernel)(*tuple(_d.values())))

</pallas_src>

<mosaic_0001>
#map = affine_map<(d0, d1) -> (0, 0)>
#map1 = affine_map<(d0, d1) -> (0)>
module attributes {stable_mosaic.version = 14 : i64} {
  func.func @agg(%arg0: i32, %arg1: i32, %arg2: memref<51072x32xf32, #tpu.memory_space<hbm>>, %arg3: memref<51072x32xf32, #tpu.memory_space<hbm>>, %arg4: memref<851968xi32, #tpu.memory_space<hbm>>, %arg5: memref<851968xi32, #tpu.memory_space<hbm>>, %arg6: memref<51072x32xf32, #tpu.memory_space<hbm>>, %arg7: memref<51072x32xf32, #tpu.memory_space<hbm>>, %arg8: memref<51072x32xf32, #tpu.memory_space<hbm>>, %arg9: memref<416xi32, #tpu.memory_space<vmem>>, %arg10: memref<416xi32, #tpu.memory_space<vmem>>, %arg11: memref<416xi32, #tpu.memory_space<vmem>>, %arg12: memref<416xi32, #tpu.memory_space<vmem>>, %arg13: memref<416x32xf32, #tpu.memory_space<vmem>>, %arg14: memref<416x32xf32, #tpu.memory_space<vmem>>, %arg15: memref<51072x32xf32, #tpu.memory_space<vmem_shared>>, %arg16: memref<!tpu.dma_semaphore, #tpu.memory_space<semaphore_mem>>, %arg17: memref<!tpu.dma_semaphore, #tpu.memory_space<semaphore_mem>>, %arg18: memref<!tpu.dma_semaphore, #tpu.memory_space<semaphore_mem>>, %arg19: memref<!tpu.dma_semaphore, #tpu.memory_space<semaphore_mem>>, %arg20: memref<!tpu.dma_semaphore, #tpu.memory_space<semaphore_mem>>, %arg21: memref<!tpu.dma_semaphore, #tpu.memory_space<semaphore_mem>>) attributes {dimension_semantics = [#tpu.dimension_semantics<core_parallel>, #tpu.dimension_semantics<subcore_parallel>], iteration_bounds = array<i64: 2, 16>, scalar_prefetch = 0 : i64, scratch_operands = 13 : i64, tpu.core_type = #tpu.core_type<sc_vector_subcore>, window_params = [{transform_indices = #map}, {transform_indices = #map}, {transform_indices = #map1}, {transform_indices = #map1}, {transform_indices = #map}, {transform_indices = #map}, {transform_indices = #map}]} {
    %mul3A = arith.constant 53248 : i32
    %mul3A_0 = arith.muli %arg1, %mul3A : i32
    %add3A = arith.constant 0 : i32
    %add3A_1 = arith.addi %mul3A_0, %add3A : i32
    %dma_start3A = tpu.memref_slice %arg4[%add3A_1] : memref<851968xi32, #tpu.memory_space<hbm>> -> memref<416xi32, #tpu.memory_space<hbm>>
    %dma_start3A_2 = tpu.memref_slice %arg4[%add3A_1] : memref<851968xi32, #tpu.memory_space<hbm>> -> memref<416xi32, #tpu.memory_space<hbm>>
    tpu.enqueue_dma source(%dma_start3A_2 : memref<416xi32, #tpu.memory_space<hbm>>) target(%arg9 : memref<416xi32, #tpu.memory_space<vmem>>) target_semaphore(%arg16 : memref<!tpu.dma_semaphore, #tpu.memory_space<semaphore_mem>>)
    %dma_start3A_3 = tpu.memref_slice %arg5[%add3A_1] : memref<851968xi32, #tpu.memory_space<hbm>> -> memref<416xi32, #tpu.memory_space<hbm>>
    %dma_start3A_4 = tpu.memref_slice %arg5[%add3A_1] : memref<851968xi32, #tpu.memory_space<hbm>> -> memref<416xi32, #tpu.memory_space<hbm>>
    tpu.enqueue_dma source(%dma_start3A_4 : memref<416xi32, #tpu.memory_space<hbm>>) target(%arg11 : memref<416xi32, #tpu.memory_space<vmem>>) target_semaphore(%arg16 : memref<!tpu.dma_semaphore, #tpu.memory_space<semaphore_mem>>)
    %mul3A_5 = arith.constant 3192 : i32
    %mul3A_6 = arith.muli %arg1, %mul3A_5 : i32
    %mul3A_7 = arith.constant 3192 : i32
    %mul3A_8 = arith.muli %arg1, %mul3A_7 : i32
    "tpu.region"() ({
      %run_scoped3A = tpu.sem_alloc : memref<!tpu.dma_semaphore, #tpu.memory_space<semaphore_mem>>
      %dma_start3A_23 = arith.constant 0 : i32
      %dma_start3A_24 = tpu.memref_slice %arg15[%mul3A_8, %dma_start3A_23] : memref<51072x32xf32, #tpu.memory_space<vmem_shared>> -> memref<3192x32xf32, #tpu.memory_space<vmem_shared>>
      %dma_start3A_25 = arith.constant 0 : i32
      %dma_start3A_26 = tpu.memref_slice %arg6[%mul3A_6, %dma_start3A_25] : memref<51072x32xf32, #tpu.memory_space<hbm>> -> memref<3192x32xf32, #tpu.memory_space<hbm>>
      tpu.enqueue_dma source(%dma_start3A_26 : memref<3192x32xf32, #tpu.memory_space<hbm>>) target(%dma_start3A_24 : memref<3192x32xf32, #tpu.memory_space<vmem_shared>>) target_semaphore(%run_scoped3A : memref<!tpu.dma_semaphore, #tpu.memory_space<semaphore_mem>>)
      %dma_wait3A_27 = arith.constant 0 : i32
      %dma_wait3A_28 = tpu.memref_slice %arg15[%mul3A_8, %dma_wait3A_27] : memref<51072x32xf32, #tpu.memory_space<vmem_shared>> -> memref<3192x32xf32, #tpu.memory_space<vmem_shared>>
      %dma_wait3A_29 = arith.constant 0 : i32
      %dma_wait3A_30 = tpu.memref_slice %arg6[%mul3A_6, %dma_wait3A_29] : memref<51072x32xf32, #tpu.memory_space<hbm>> -> memref<3192x32xf32, #tpu.memory_space<hbm>>
      tpu.wait_dma2 semaphore(%run_scoped3A : memref<!tpu.dma_semaphore, #tpu.memory_space<semaphore_mem>>) src(%dma_wait3A_30 : memref<3192x32xf32, #tpu.memory_space<hbm>>) dst(%dma_wait3A_28 : memref<3192x32xf32, #tpu.memory_space<vmem_shared>>)
      tpu.yield
    }) : () -> ()
    %barrier3A = arith.constant 0 : index
    tpu.barrier barrier_id(%barrier3A)
    %scan3A = arith.constant 0 : i32
    %scan3A_9 = arith.constant 64 : i32
    %scan3A_10 = arith.addi %scan3A, %scan3A_9 : i32
    %scan3A_11 = arith.constant 1 : i32
    scf.for %scan3A_23 = %scan3A to %scan3A_10 step %scan3A_11  : i32 {
      %mul3A_24 = arith.constant 2 : i32
      %mul3A_25 = arith.muli %scan3A_23, %mul3A_24 : i32
      %add3A_26 = arith.constant 0 : i32
      %add3A_27 = arith.addi %add3A_26, %mul3A_25 : i32
      %add3A_28 = arith.constant 0 : i32
      %add3A_29 = arith.addi %add3A_27, %add3A_28 : i32
      %mul3A_30 = arith.constant 416 : i32
      %mul3A_31 = arith.muli %add3A_29, %mul3A_30 : i32
      %add3A_32 = arith.addi %mul3A_0, %mul3A_31 : i32
      %dma_wait3A_33 = tpu.memref_slice %arg4[%add3A_32] : memref<851968xi32, #tpu.memory_space<hbm>> -> memref<416xi32, #tpu.memory_space<hbm>>
      %dma_wait3A_34 = tpu.memref_slice %arg4[%add3A_32] : memref<851968xi32, #tpu.memory_space<hbm>> -> memref<416xi32, #tpu.memory_space<hbm>>
      tpu.wait_dma2 semaphore(%arg16 : memref<!tpu.dma_semaphore, #tpu.memory_space<semaphore_mem>>) src(%dma_wait3A_34 : memref<416xi32, #tpu.memory_space<hbm>>) dst(%arg9 : memref<416xi32, #tpu.memory_space<vmem>>)
      %dma_wait3A_35 = tpu.memref_slice %arg5[%add3A_32] : memref<851968xi32, #tpu.memory_space<hbm>> -> memref<416xi32, #tpu.memory_space<hbm>>
      %dma_wait3A_36 = tpu.memref_slice %arg5[%add3A_32] : memref<851968xi32, #tpu.memory_space<hbm>> -> memref<416xi32, #tpu.memory_space<hbm>>
      tpu.wait_dma2 semaphore(%arg16 : memref<!tpu.dma_semaphore, #tpu.memory_space<semaphore_mem>>) src(%dma_wait3A_36 : memref<416xi32, #tpu.memory_space<hbm>>) dst(%arg11 : memref<416xi32, #tpu.memory_space<vmem>>)
      %eq3A_37 = arith.constant 0 : i32
      %eq3A_38 = arith.cmpi eq, %arg0, %eq3A_37 : i32
      %convert_element_type3A_39 = arith.extui %eq3A_38 : i1 to i32
      %cond3A_40 = arith.constant 0 : i32
      %cond3A_41 = arith.cmpi ne, %convert_element_type3A_39, %cond3A_40 : i32
      scf.if %cond3A_41 {
        %dma_start3A_114 = arith.constant 0 : i32
        %dma_start3A_115 = arith.constant 0 : i32
        %dma_start3A_116 = tpu.memref_slice %arg2[%dma_start3A_114, %dma_start3A_115] : memref<51072x32xf32, #tpu.memory_space<hbm>> -> memref<51072x32xf32, #tpu.memory_space<hbm>>
        tpu.enqueue_indirect_dma source(%dma_start3A_116 : memref<51072x32xf32, #tpu.memory_space<hbm>>) target(%arg13 : memref<416x32xf32, #tpu.memory_space<vmem>>) offsets(%arg9 : memref<416xi32, #tpu.memory_space<vmem>>) semaphore(%arg18 : memref<!tpu.dma_semaphore, #tpu.memory_space<semaphore_mem>>)
      } else {
      }
      %eq3A_42 = arith.constant 1 : i32
      %eq3A_43 = arith.cmpi eq, %arg0, %eq3A_42 : i32
      %convert_element_type3A_44 = arith.extui %eq3A_43 : i1 to i32
      %cond3A_45 = arith.constant 0 : i32
      %cond3A_46 = arith.cmpi ne, %convert_element_type3A_44, %cond3A_45 : i32
      scf.if %cond3A_46 {
        %dma_start3A_114 = arith.constant 0 : i32
        %dma_start3A_115 = arith.constant 0 : i32
        %dma_start3A_116 = tpu.memref_slice %arg3[%dma_start3A_114, %dma_start3A_115] : memref<51072x32xf32, #tpu.memory_space<hbm>> -> memref<51072x32xf32, #tpu.memory_space<hbm>>
        tpu.enqueue_indirect_dma source(%dma_start3A_116 : memref<51072x32xf32, #tpu.memory_space<hbm>>) target(%arg13 : memref<416x32xf32, #tpu.memory_space<vmem>>) offsets(%arg9 : memref<416xi32, #tpu.memory_space<vmem>>) semaphore(%arg18 : memref<!tpu.dma_semaphore, #tpu.memory_space<semaphore_mem>>)
      } else {
      }
      %ge3A = arith.constant 1 : i32
      %ge3A_47 = arith.cmpi sge, %add3A_29, %ge3A : i32
      %convert_element_type3A_48 = arith.extui %ge3A_47 : i1 to i32
      %cond3A_49 = arith.constant 0 : i32
      %cond3A_50 = arith.cmpi ne, %convert_element_type3A_48, %cond3A_49 : i32
      scf.if %cond3A_50 {
        %dma_wait3A_114 = arith.constant 0 : i32
        %dma_wait3A_115 = arith.constant 0 : i32
        %dma_wait3A_116 = tpu.memref_slice %arg15[%dma_wait3A_114, %dma_wait3A_115] : memref<51072x32xf32, #tpu.memory_space<vmem_shared>> -> memref<51072x32xf32, #tpu.memory_space<vmem_shared>>
        tpu.wait_indirect_dma semaphore(%arg21 : memref<!tpu.dma_semaphore, #tpu.memory_space<semaphore_mem>>) src(%arg14 : memref<416x32xf32, #tpu.memory_space<vmem>>) dst(%dma_wait3A_116 : memref<51072x32xf32, #tpu.memory_space<vmem_shared>>)
      } else {
      }
      %add3A_51 = arith.constant 1 : i32
      %add3A_52 = arith.addi %add3A_29, %add3A_51 : i32
      %lt3A = arith.constant 128 : i32
      %lt3A_53 = arith.cmpi slt, %add3A_52, %lt3A : i32
      %convert_element_type3A_54 = arith.extui %lt3A_53 : i1 to i32
      %cond3A_55 = arith.constant 0 : i32
      %cond3A_56 = arith.cmpi ne, %convert_element_type3A_54, %cond3A_55 : i32
      scf.if %cond3A_56 {
        %add3A_114 = arith.constant 1 : i32
        %add3A_115 = arith.addi %add3A_29, %add3A_114 : i32
        %mul3A_116 = arith.constant 416 : i32
        %mul3A_117 = arith.muli %add3A_115, %mul3A_116 : i32
        %add3A_118 = arith.addi %mul3A_0, %mul3A_117 : i32
        %dma_start3A_119 = tpu.memref_slice %arg4[%add3A_118] : memref<851968xi32, #tpu.memory_space<hbm>> -> memref<416xi32, #tpu.memory_space<hbm>>
        %dma_start3A_120 = tpu.memref_slice %arg4[%add3A_118] : memref<851968xi32, #tpu.memory_space<hbm>> -> memref<416xi32, #tpu.memory_space<hbm>>
        tpu.enqueue_dma source(%dma_start3A_120 : memref<416xi32, #tpu.memory_space<hbm>>) target(%arg10 : memref<416xi32, #tpu.memory_space<vmem>>) target_semaphore(%arg17 : memref<!tpu.dma_semaphore, #tpu.memory_space<semaphore_mem>>)
        %dma_start3A_121 = tpu.memref_slice %arg5[%add3A_118] : memref<851968xi32, #tpu.memory_space<hbm>> -> memref<416xi32, #tpu.memory_space<hbm>>
        %dma_start3A_122 = tpu.memref_slice %arg5[%add3A_118] : memref<851968xi32, #tpu.memory_space<hbm>> -> memref<416xi32, #tpu.memory_space<hbm>>
        tpu.enqueue_dma source(%dma_start3A_122 : memref<416xi32, #tpu.memory_space<hbm>>) target(%arg12 : memref<416xi32, #tpu.memory_space<vmem>>) target_semaphore(%arg17 : memref<!tpu.dma_semaphore, #tpu.memory_space<semaphore_mem>>)
      } else {
      }
      %eq3A_57 = arith.constant 0 : i32
      %eq3A_58 = arith.cmpi eq, %arg0, %eq3A_57 : i32
      %convert_element_type3A_59 = arith.extui %eq3A_58 : i1 to i32
      %cond3A_60 = arith.constant 0 : i32
      %cond3A_61 = arith.cmpi ne, %convert_element_type3A_59, %cond3A_60 : i32
      scf.if %cond3A_61 {
        %dma_wait3A_114 = arith.constant 0 : i32
        %dma_wait3A_115 = arith.constant 0 : i32
        %dma_wait3A_116 = tpu.memref_slice %arg2[%dma_wait3A_114, %dma_wait3A_115] : memref<51072x32xf32, #tpu.memory_space<hbm>> -> memref<51072x32xf32, #tpu.memory_space<hbm>>
        tpu.wait_indirect_dma semaphore(%arg18 : memref<!tpu.dma_semaphore, #tpu.memory_space<semaphore_mem>>) src(%dma_wait3A_116 : memref<51072x32xf32, #tpu.memory_space<hbm>>) dst(%arg13 : memref<416x32xf32, #tpu.memory_space<vmem>>)
      } else {
      }
      %eq3A_62 = arith.constant 1 : i32
      %eq3A_63 = arith.cmpi eq, %arg0, %eq3A_62 : i32
      %convert_element_type3A_64 = arith.extui %eq3A_63 : i1 to i32
      %cond3A_65 = arith.constant 0 : i32
      %cond3A_66 = arith.cmpi ne, %convert_element_type3A_64, %cond3A_65 : i32
      scf.if %cond3A_66 {
        %dma_wait3A_114 = arith.constant 0 : i32
        %dma_wait3A_115 = arith.constant 0 : i32
        %dma_wait3A_116 = tpu.memref_slice %arg3[%dma_wait3A_114, %dma_wait3A_115] : memref<51072x32xf32, #tpu.memory_space<hbm>> -> memref<51072x32xf32, #tpu.memory_space<hbm>>
        tpu.wait_indirect_dma semaphore(%arg18 : memref<!tpu.dma_semaphore, #tpu.memory_space<semaphore_mem>>) src(%dma_wait3A_116 : memref<51072x32xf32, #tpu.memory_space<hbm>>) dst(%arg13 : memref<416x32xf32, #tpu.memory_space<vmem>>)
      } else {
      }
      %dma_start3A_67 = arith.constant 0 : i32
      %dma_start3A_68 = arith.constant 0 : i32
      %dma_start3A_69 = tpu.memref_slice %arg15[%dma_start3A_67, %dma_start3A_68] : memref<51072x32xf32, #tpu.memory_space<vmem_shared>> -> memref<51072x32xf32, #tpu.memory_space<vmem_shared>>
      tpu.enqueue_indirect_dma source(%arg13 : memref<416x32xf32, #tpu.memory_space<vmem>>) target(%dma_start3A_69 : memref<51072x32xf32, #tpu.memory_space<vmem_shared>>) offsets(%arg11 : memref<416xi32, #tpu.memory_space<vmem>>) semaphore(%arg20 : memref<!tpu.dma_semaphore, #tpu.memory_space<semaphore_mem>>) {add = true}
      %add3A_70 = arith.constant 1 : i32
      %add3A_71 = arith.addi %add3A_27, %add3A_70 : i32
      %mul3A_72 = arith.constant 416 : i32
      %mul3A_73 = arith.muli %add3A_71, %mul3A_72 : i32
      %add3A_74 = arith.addi %mul3A_0, %mul3A_73 : i32
      %dma_wait3A_75 = tpu.memref_slice %arg4[%add3A_74] : memref<851968xi32, #tpu.memory_space<hbm>> -> memref<416xi32, #tpu.memory_space<hbm>>
      %dma_wait3A_76 = tpu.memref_slice %arg4[%add3A_74] : memref<851968xi32, #tpu.memory_space<hbm>> -> memref<416xi32, #tpu.memory_space<hbm>>
      tpu.wait_dma2 semaphore(%arg17 : memref<!tpu.dma_semaphore, #tpu.memory_space<semaphore_mem>>) src(%dma_wait3A_76 : memref<416xi32, #tpu.memory_space<hbm>>) dst(%arg10 : memref<416xi32, #tpu.memory_space<vmem>>)
      %dma_wait3A_77 = tpu.memref_slice %arg5[%add3A_74] : memref<851968xi32, #tpu.memory_space<hbm>> -> memref<416xi32, #tpu.memory_space<hbm>>
      %dma_wait3A_78 = tpu.memref_slice %arg5[%add3A_74] : memref<851968xi32, #tpu.memory_space<hbm>> -> memref<416xi32, #tpu.memory_space<hbm>>
      tpu.wait_dma2 semaphore(%arg17 : memref<!tpu.dma_semaphore, #tpu.memory_space<semaphore_mem>>) src(%dma_wait3A_78 : memref<416xi32, #tpu.memory_space<hbm>>) dst(%arg12 : memref<416xi32, #tpu.memory_space<vmem>>)
      %eq3A_79 = arith.constant 0 : i32
      %eq3A_80 = arith.cmpi eq, %arg0, %eq3A_79 : i32
      %convert_element_type3A_81 = arith.extui %eq3A_80 : i1 to i32
      %cond3A_82 = arith.constant 0 : i32
      %cond3A_83 = arith.cmpi ne, %convert_element_type3A_81, %cond3A_82 : i32
      scf.if %cond3A_83 {
        %dma_start3A_114 = arith.constant 0 : i32
        %dma_start3A_115 = arith.constant 0 : i32
        %dma_start3A_116 = tpu.memref_slice %arg2[%dma_start3A_114, %dma_start3A_115] : memref<51072x32xf32, #tpu.memory_space<hbm>> -> memref<51072x32xf32, #tpu.memory_space<hbm>>
        tpu.enqueue_indirect_dma source(%dma_start3A_116 : memref<51072x32xf32, #tpu.memory_space<hbm>>) target(%arg14 : memref<416x32xf32, #tpu.memory_space<vmem>>) offsets(%arg10 : memref<416xi32, #tpu.memory_space<vmem>>) semaphore(%arg19 : memref<!tpu.dma_semaphore, #tpu.memory_space<semaphore_mem>>)
      } else {
      }
      %eq3A_84 = arith.constant 1 : i32
      %eq3A_85 = arith.cmpi eq, %arg0, %eq3A_84 : i32
      %convert_element_type3A_86 = arith.extui %eq3A_85 : i1 to i32
      %cond3A_87 = arith.constant 0 : i32
      %cond3A_88 = arith.cmpi ne, %convert_element_type3A_86, %cond3A_87 : i32
      scf.if %cond3A_88 {
        %dma_start3A_114 = arith.constant 0 : i32
        %dma_start3A_115 = arith.constant 0 : i32
        %dma_start3A_116 = tpu.memref_slice %arg3[%dma_start3A_114, %dma_start3A_115] : memref<51072x32xf32, #tpu.memory_space<hbm>> -> memref<51072x32xf32, #tpu.memory_space<hbm>>
        tpu.enqueue_indirect_dma source(%dma_start3A_116 : memref<51072x32xf32, #tpu.memory_space<hbm>>) target(%arg14 : memref<416x32xf32, #tpu.memory_space<vmem>>) offsets(%arg10 : memref<416xi32, #tpu.memory_space<vmem>>) semaphore(%arg19 : memref<!tpu.dma_semaphore, #tpu.memory_space<semaphore_mem>>)
      } else {
      }
      %ge3A_89 = arith.constant 1 : i32
      %ge3A_90 = arith.cmpi sge, %add3A_71, %ge3A_89 : i32
      %convert_element_type3A_91 = arith.extui %ge3A_90 : i1 to i32
      %cond3A_92 = arith.constant 0 : i32
      %cond3A_93 = arith.cmpi ne, %convert_element_type3A_91, %cond3A_92 : i32
      scf.if %cond3A_93 {
        %dma_wait3A_114 = arith.constant 0 : i32
        %dma_wait3A_115 = arith.constant 0 : i32
        %dma_wait3A_116 = tpu.memref_slice %arg15[%dma_wait3A_114, %dma_wait3A_115] : memref<51072x32xf32, #tpu.memory_space<vmem_shared>> -> memref<51072x32xf32, #tpu.memory_space<vmem_shared>>
        tpu.wait_indirect_dma semaphore(%arg20 : memref<!tpu.dma_semaphore, #tpu.memory_space<semaphore_mem>>) src(%arg13 : memref<416x32xf32, #tpu.memory_space<vmem>>) dst(%dma_wait3A_116 : memref<51072x32xf32, #tpu.memory_space<vmem_shared>>)
      } else {
      }
      %add3A_94 = arith.constant 1 : i32
      %add3A_95 = arith.addi %add3A_71, %add3A_94 : i32
      %lt3A_96 = arith.constant 128 : i32
      %lt3A_97 = arith.cmpi slt, %add3A_95, %lt3A_96 : i32
      %convert_element_type3A_98 = arith.extui %lt3A_97 : i1 to i32
      %cond3A_99 = arith.constant 0 : i32
      %cond3A_100 = arith.cmpi ne, %convert_element_type3A_98, %cond3A_99 : i32
      scf.if %cond3A_100 {
        %add3A_114 = arith.constant 1 : i32
        %add3A_115 = arith.addi %add3A_71, %add3A_114 : i32
        %mul3A_116 = arith.constant 416 : i32
        %mul3A_117 = arith.muli %add3A_115, %mul3A_116 : i32
        %add3A_118 = arith.addi %mul3A_0, %mul3A_117 : i32
        %dma_start3A_119 = tpu.memref_slice %arg4[%add3A_118] : memref<851968xi32, #tpu.memory_space<hbm>> -> memref<416xi32, #tpu.memory_space<hbm>>
        %dma_start3A_120 = tpu.memref_slice %arg4[%add3A_118] : memref<851968xi32, #tpu.memory_space<hbm>> -> memref<416xi32, #tpu.memory_space<hbm>>
        tpu.enqueue_dma source(%dma_start3A_120 : memref<416xi32, #tpu.memory_space<hbm>>) target(%arg9 : memref<416xi32, #tpu.memory_space<vmem>>) target_semaphore(%arg16 : memref<!tpu.dma_semaphore, #tpu.memory_space<semaphore_mem>>)
        %dma_start3A_121 = tpu.memref_slice %arg5[%add3A_118] : memref<851968xi32, #tpu.memory_space<hbm>> -> memref<416xi32, #tpu.memory_space<hbm>>
        %dma_start3A_122 = tpu.memref_slice %arg5[%add3A_118] : memref<851968xi32, #tpu.memory_space<hbm>> -> memref<416xi32, #tpu.memory_space<hbm>>
        tpu.enqueue_dma source(%dma_start3A_122 : memref<416xi32, #tpu.memory_space<hbm>>) target(%arg11 : memref<416xi32, #tpu.memory_space<vmem>>) target_semaphore(%arg16 : memref<!tpu.dma_semaphore, #tpu.memory_space<semaphore_mem>>)
      } else {
      }
      %eq3A_101 = arith.constant 0 : i32
      %eq3A_102 = arith.cmpi eq, %arg0, %eq3A_101 : i32
      %convert_element_type3A_103 = arith.extui %eq3A_102 : i1 to i32
      %cond3A_104 = arith.constant 0 : i32
      %cond3A_105 = arith.cmpi ne, %convert_element_type3A_103, %cond3A_104 : i32
      scf.if %cond3A_105 {
        %dma_wait3A_114 = arith.constant 0 : i32
        %dma_wait3A_115 = arith.constant 0 : i32
        %dma_wait3A_116 = tpu.memref_slice %arg2[%dma_wait3A_114, %dma_wait3A_115] : memref<51072x32xf32, #tpu.memory_space<hbm>> -> memref<51072x32xf32, #tpu.memory_space<hbm>>
        tpu.wait_indirect_dma semaphore(%arg19 : memref<!tpu.dma_semaphore, #tpu.memory_space<semaphore_mem>>) src(%dma_wait3A_116 : memref<51072x32xf32, #tpu.memory_space<hbm>>) dst(%arg14 : memref<416x32xf32, #tpu.memory_space<vmem>>)
      } else {
      }
      %eq3A_106 = arith.constant 1 : i32
      %eq3A_107 = arith.cmpi eq, %arg0, %eq3A_106 : i32
      %convert_element_type3A_108 = arith.extui %eq3A_107 : i1 to i32
      %cond3A_109 = arith.constant 0 : i32
      %cond3A_110 = arith.cmpi ne, %convert_element_type3A_108, %cond3A_109 : i32
      scf.if %cond3A_110 {
        %dma_wait3A_114 = arith.constant 0 : i32
        %dma_wait3A_115 = arith.constant 0 : i32
        %dma_wait3A_116 = tpu.memref_slice %arg3[%dma_wait3A_114, %dma_wait3A_115] : memref<51072x32xf32, #tpu.memory_space<hbm>> -> memref<51072x32xf32, #tpu.memory_space<hbm>>
        tpu.wait_indirect_dma semaphore(%arg19 : memref<!tpu.dma_semaphore, #tpu.memory_space<semaphore_mem>>) src(%dma_wait3A_116 : memref<51072x32xf32, #tpu.memory_space<hbm>>) dst(%arg14 : memref<416x32xf32, #tpu.memory_space<vmem>>)
      } else {
      }
      %dma_start3A_111 = arith.constant 0 : i32
      %dma_start3A_112 = arith.constant 0 : i32
      %dma_start3A_113 = tpu.memref_slice %arg15[%dma_start3A_111, %dma_start3A_112] : memref<51072x32xf32, #tpu.memory_space<vmem_shared>> -> memref<51072x32xf32, #tpu.memory_space<vmem_shared>>
      tpu.enqueue_indirect_dma source(%arg14 : memref<416x32xf32, #tpu.memory_space<vmem>>) target(%dma_start3A_113 : memref<51072x32xf32, #tpu.memory_space<vmem_shared>>) offsets(%arg12 : memref<416xi32, #tpu.memory_space<vmem>>) semaphore(%arg21 : memref<!tpu.dma_semaphore, #tpu.memory_space<semaphore_mem>>) {add = true}
    }
    %scan3A_12 = arith.constant 64 : i32
    %dma_wait3A = arith.constant 0 : i32
    %dma_wait3A_13 = arith.constant 0 : i32
    %dma_wait3A_14 = tpu.memref_slice %arg15[%dma_wait3A, %dma_wait3A_13] : memref<51072x32xf32, #tpu.memory_space<vmem_shared>> -> memref<51072x32xf32, #tpu.memory_space<vmem_shared>>
    tpu.wait_indirect_dma semaphore(%arg21 : memref<!tpu.dma_semaphore, #tpu.memory_space<semaphore_mem>>) src(%arg14 : memref<416x32xf32, #tpu.memory_space<vmem>>) dst(%dma_wait3A_14 : memref<51072x32xf32, #tpu.memory_space<vmem_shared>>)
    %barrier3A_15 = arith.constant 0 : index
    tpu.barrier barrier_id(%barrier3A_15)
    %eq3A = arith.constant 0 : i32
    %eq3A_16 = arith.cmpi eq, %arg0, %eq3A : i32
    %convert_element_type3A = arith.extui %eq3A_16 : i1 to i32
    %cond3A = arith.constant 0 : i32
    %cond3A_17 = arith.cmpi ne, %convert_element_type3A, %cond3A : i32
    scf.if %cond3A_17 {
      %mul3A_23 = arith.constant 3192 : i32
      %mul3A_24 = arith.muli %arg1, %mul3A_23 : i32
      %mul3A_25 = arith.constant 3192 : i32
      %mul3A_26 = arith.muli %arg1, %mul3A_25 : i32
      "tpu.region"() ({
        %run_scoped3A = tpu.sem_alloc : memref<!tpu.dma_semaphore, #tpu.memory_space<semaphore_mem>>
        %dma_start3A_27 = arith.constant 0 : i32
        %dma_start3A_28 = tpu.memref_slice %arg7[%mul3A_26, %dma_start3A_27] : memref<51072x32xf32, #tpu.memory_space<hbm>> -> memref<3192x32xf32, #tpu.memory_space<hbm>>
        %dma_start3A_29 = arith.constant 0 : i32
        %dma_start3A_30 = tpu.memref_slice %arg15[%mul3A_24, %dma_start3A_29] : memref<51072x32xf32, #tpu.memory_space<vmem_shared>> -> memref<3192x32xf32, #tpu.memory_space<vmem_shared>>
        tpu.enqueue_dma source(%dma_start3A_30 : memref<3192x32xf32, #tpu.memory_space<vmem_shared>>) target(%dma_start3A_28 : memref<3192x32xf32, #tpu.memory_space<hbm>>) target_semaphore(%run_scoped3A : memref<!tpu.dma_semaphore, #tpu.memory_space<semaphore_mem>>)
        %dma_wait3A_31 = arith.constant 0 : i32
        %dma_wait3A_32 = tpu.memref_slice %arg7[%mul3A_26, %dma_wait3A_31] : memref<51072x32xf32, #tpu.memory_space<hbm>> -> memref<3192x32xf32, #tpu.memory_space<hbm>>
        %dma_wait3A_33 = arith.constant 0 : i32
        %dma_wait3A_34 = tpu.memref_slice %arg15[%mul3A_24, %dma_wait3A_33] : memref<51072x32xf32, #tpu.memory_space<vmem_shared>> -> memref<3192x32xf32, #tpu.memory_space<vmem_shared>>
        tpu.wait_dma2 semaphore(%run_scoped3A : memref<!tpu.dma_semaphore, #tpu.memory_space<semaphore_mem>>) src(%dma_wait3A_34 : memref<3192x32xf32, #tpu.memory_space<vmem_shared>>) dst(%dma_wait3A_32 : memref<3192x32xf32, #tpu.memory_space<hbm>>)
        tpu.yield
      }) : () -> ()
    } else {
    }
    %eq3A_18 = arith.constant 1 : i32
    %eq3A_19 = arith.cmpi eq, %arg0, %eq3A_18 : i32
    %convert_element_type3A_20 = arith.extui %eq3A_19 : i1 to i32
    %cond3A_21 = arith.constant 0 : i32
    %cond3A_22 = arith.cmpi ne, %convert_element_type3A_20, %cond3A_21 : i32
    scf.if %cond3A_22 {
      %mul3A_23 = arith.constant 3192 : i32
      %mul3A_24 = arith.muli %arg1, %mul3A_23 : i32
      %mul3A_25 = arith.constant 3192 : i32
      %mul3A_26 = arith.muli %arg1, %mul3A_25 : i32
      "tpu.region"() ({
        %run_scoped3A = tpu.sem_alloc : memref<!tpu.dma_semaphore, #tpu.memory_space<semaphore_mem>>
        %dma_start3A_27 = arith.constant 0 : i32
        %dma_start3A_28 = tpu.memref_slice %arg8[%mul3A_26, %dma_start3A_27] : memref<51072x32xf32, #tpu.memory_space<hbm>> -> memref<3192x32xf32, #tpu.memory_space<hbm>>
        %dma_start3A_29 = arith.constant 0 : i32
        %dma_start3A_30 = tpu.memref_slice %arg15[%mul3A_24, %dma_start3A_29] : memref<51072x32xf32, #tpu.memory_space<vmem_shared>> -> memref<3192x32xf32, #tpu.memory_space<vmem_shared>>
        tpu.enqueue_dma source(%dma_start3A_30 : memref<3192x32xf32, #tpu.memory_space<vmem_shared>>) target(%dma_start3A_28 : memref<3192x32xf32, #tpu.memory_space<hbm>>) target_semaphore(%run_scoped3A : memref<!tpu.dma_semaphore, #tpu.memory_space<semaphore_mem>>)
        %dma_wait3A_31 = arith.constant 0 : i32
        %dma_wait3A_32 = tpu.memref_slice %arg8[%mul3A_26, %dma_wait3A_31] : memref<51072x32xf32, #tpu.memory_space<hbm>> -> memref<3192x32xf32, #tpu.memory_space<hbm>>
        %dma_wait3A_33 = arith.constant 0 : i32
        %dma_wait3A_34 = tpu.memref_slice %arg15[%mul3A_24, %dma_wait3A_33] : memref<51072x32xf32, #tpu.memory_space<vmem_shared>> -> memref<3192x32xf32, #tpu.memory_space<vmem_shared>>
        tpu.wait_dma2 semaphore(%run_scoped3A : memref<!tpu.dma_semaphore, #tpu.memory_space<semaphore_mem>>) src(%dma_wait3A_34 : memref<3192x32xf32, #tpu.memory_space<vmem_shared>>) dst(%dma_wait3A_32 : memref<3192x32xf32, #tpu.memory_space<hbm>>)
        tpu.yield
      }) : () -> ()
    } else {
    }
    return
  }
}

module attributes {stable_mosaic.version = 14 : i64} {
  func.func @_init_body(%arg0: i32, %arg1: memref<1824x8xf32, #tpu.memory_space<vmem>>, %arg2: memref<8x128xf32, #tpu.memory_space<vmem>>, %arg3: memref<8x128xf32, #tpu.memory_space<vmem>>, %arg4: memref<128x128xf32, #tpu.memory_space<vmem>>, %arg5: memref<1x128xf32, #tpu.memory_space<vmem>>, %arg6: memref<1x128xf32, #tpu.memory_space<vmem>>, %arg7: memref<1824x128xf32, #tpu.memory_space<vmem>>, %arg8: memref<1824x128xf32, #tpu.memory_space<vmem>>) attributes {dimension_semantics = [#tpu.dimension_semantics<arbitrary>], iteration_bounds = array<i64: 7>, scalar_prefetch = 0 : i64, scratch_operands = 0 : i64, tpu.core_type = #tpu.core_type<tc>, window_params = [{transform_indices = @transform_0, window_bounds = array<i64: 1824, 8>}, {pipeline_mode = #tpu.pipeline_mode<synchronous>, transform_indices = @transform_1, window_bounds = array<i64: 8, 128>}, {pipeline_mode = #tpu.pipeline_mode<synchronous>, transform_indices = @transform_2, window_bounds = array<i64: 8, 128>}, {pipeline_mode = #tpu.pipeline_mode<synchronous>, transform_indices = @transform_3, window_bounds = array<i64: 128, 128>}, {pipeline_mode = #tpu.pipeline_mode<synchronous>, transform_indices = @transform_4, window_bounds = array<i64: 1, 128>}, {pipeline_mode = #tpu.pipeline_mode<synchronous>, transform_indices = @transform_5, window_bounds = array<i64: 1, 128>}, {transform_indices = @transform_6, window_bounds = array<i64: 1824, 128>}, {transform_indices = @transform_7, window_bounds = array<i64: 1824, 128>}]} {
    %get3A = arith.constant 0 : index
    %get3A_0 = arith.constant 0 : index
    %get3A_1 = vector.load %arg1[%get3A, %get3A_0] : memref<1824x8xf32, #tpu.memory_space<vmem>>, vector<1824x8xf32>
    %get3A_2 = arith.constant 0 : index
    %get3A_3 = arith.constant 0 : index
    %get3A_4 = vector.load %arg2[%get3A_2, %get3A_3] : memref<8x128xf32, #tpu.memory_space<vmem>>, vector<8x128xf32>
    %dot_general3A = arith.constant dense<0.000000e+00> : vector<1824x128xf32>
    %dot_general3A_5 = tpu.matmul %get3A_1, %get3A_4, %dot_general3A {dimension_numbers = #tpu.dot_dimension_numbers<[1], [0], [0], [1], [0, 0, 1, 1], [], []>, transpose_lhs_hint = false} : vector<1824x8xf32>, vector<8x128xf32>, vector<1824x128xf32> -> vector<1824x128xf32>
    %get3A_6 = arith.constant 0 : index
    %get3A_7 = arith.constant 0 : index
    %get3A_8 = vector.load %arg3[%get3A_6, %get3A_7] : memref<8x128xf32, #tpu.memory_space<vmem>>, vector<8x128xf32>
    %dot_general3A_9 = arith.constant dense<0.000000e+00> : vector<1824x128xf32>
    %dot_general3A_10 = tpu.matmul %get3A_1, %get3A_8, %dot_general3A_9 {dimension_numbers = #tpu.dot_dimension_numbers<[1], [0], [0], [1], [0, 0, 1, 1], [], []>, transpose_lhs_hint = false} : vector<1824x8xf32>, vector<8x128xf32>, vector<1824x128xf32> -> vector<1824x128xf32>
    %get3A_11 = arith.constant 0 : index
    %get3A_12 = arith.constant 0 : index
    %get3A_13 = vector.load %arg5[%get3A_11, %get3A_12] : memref<1x128xf32, #tpu.memory_space<vmem>>, vector<1x128xf32>
    %add3A = vector.broadcast %get3A_13 : vector<1x128xf32> to vector<1824x128xf32>
    %add3A_14 = arith.addf %dot_general3A_5, %add3A : vector<1824x128xf32>
    %max3A = arith.constant 0.000000e+00 : f32
    %max3A_15 = vector.broadcast %max3A : f32 to vector<1824x128xf32>
    %max3A_16 = arith.maximumf %add3A_14, %max3A_15 : vector<1824x128xf32>
    %get3A_17 = arith.constant 0 : index
    %get3A_18 = arith.constant 0 : index
    %get3A_19 = vector.load %arg6[%get3A_17, %get3A_18] : memref<1x128xf32, #tpu.memory_space<vmem>>, vector<1x128xf32>
    %add3A_20 = vector.broadcast %get3A_19 : vector<1x128xf32> to vector<1824x128xf32>
    %add3A_21 = arith.addf %dot_general3A_10, %add3A_20 : vector<1824x128xf32>
    %max3A_22 = arith.constant 0.000000e+00 : f32
    %max3A_23 = vector.broadcast %max3A_22 : f32 to vector<1824x128xf32>
    %max3A_24 = arith.maximumf %add3A_21, %max3A_23 : vector<1824x128xf32>
    %mul3A = arith.mulf %max3A_16, %max3A_16 : vector<1824x128xf32>
    %mul3A_25 = arith.mulf %max3A_24, %max3A_24 : vector<1824x128xf32>
    %add3A_26 = arith.addf %mul3A, %mul3A_25 : vector<1824x128xf32>
    %get3A_27 = arith.constant 0 : index
    %get3A_28 = arith.constant 0 : index
    %get3A_29 = vector.load %arg4[%get3A_27, %get3A_28] : memref<128x128xf32, #tpu.memory_space<vmem>>, vector<128x128xf32>
    %dot_general3A_30 = arith.constant dense<0.000000e+00> : vector<1824x128xf32>
    %dot_general3A_31 = tpu.matmul %add3A_26, %get3A_29, %dot_general3A_30 {dimension_numbers = #tpu.dot_dimension_numbers<[1], [0], [0], [1], [0, 0, 1, 1], [], []>, transpose_lhs_hint = false} : vector<1824x128xf32>, vector<128x128xf32>, vector<1824x128xf32> -> vector<1824x128xf32>
    %sqrt3A = math.sqrt %dot_general3A_31 : vector<1824x128xf32>
    %max3A_32 = arith.constant 9.99999996E-13 : f32
    %max3A_33 = vector.broadcast %max3A_32 : f32 to vector<1824x128xf32>
    %max3A_34 = arith.maximumf %sqrt3A, %max3A_33 : vector<1824x128xf32>
    %div3A = arith.constant 1.000000e+00 : f32
    %div3A_35 = vector.broadcast %div3A : f32 to vector<1824x128xf32>
    %div3A_36 = arith.divf %div3A_35, %max3A_34 : vector<1824x128xf32>
    %mul3A_37 = arith.mulf %max3A_16, %div3A_36 : vector<1824x128xf32>
    %swap3A = arith.constant 0 : index
    %swap3A_38 = arith.constant 0 : index
    %swap3A_39 = vector.load %arg7[%swap3A, %swap3A_38] : memref<1824x128xf32, #tpu.memory_space<vmem>>, vector<1824x128xf32>
    tpu.vector_store %arg7[%swap3A, %swap3A_38], %mul3A_37 {strides = array<i32>} : memref<1824x128xf32, #tpu.memory_space<vmem>>, vector<1824x128xf32>,
    %mul3A_40 = arith.mulf %max3A_24, %div3A_36 : vector<1824x128xf32>
    %swap3A_41 = arith.constant 0 : index
    %swap3A_42 = arith.constant 0 : index
    %swap3A_43 = vector.load %arg8[%swap3A_41, %swap3A_42] : memref<1824x128xf32, #tpu.memory_space<vmem>>, vector<1824x128xf32>
    tpu.vector_store %arg8[%swap3A_41, %swap3A_42], %mul3A_40 {strides = array<i32>} : memref<1824x128xf32, #tpu.memory_space<vmem>>, vector<1824x128xf32>,
    return
  }
  func.func @transform_0(%arg0: i32) -> (i32, i32) {
    %c0_i32 = arith.constant 0 : i32
    %c0_i32_0 = arith.constant 0 : i32
    return %arg0, %c0_i32 : i32, i32
  }
  func.func @transform_1(%arg0: i32) -> (i32, i32) {
    %c0_i32 = arith.constant 0 : i32
    %c0_i32_0 = arith.constant 0 : i32
    %c0_i32_1 = arith.constant 0 : i32
    return %c0_i32, %c0_i32_0 : i32, i32
  }
  func.func @transform_2(%arg0: i32) -> (i32, i32) {
    %c0_i32 = arith.constant 0 : i32
    %c0_i32_0 = arith.constant 0 : i32
    %c0_i32_1 = arith.constant 0 : i32
    return %c0_i32, %c0_i32_0 : i32, i32
  }
  func.func @transform_3(%arg0: i32) -> (i32, i32) {
    %c0_i32 = arith.constant 0 : i32
    %c0_i32_0 = arith.constant 0 : i32
    %c0_i32_1 = arith.constant 0 : i32
    return %c0_i32, %c0_i32_0 : i32, i32
  }
  func.func @transform_4(%arg0: i32) -> (i32, i32) {
    %c0_i32 = arith.constant 0 : i32
    %c0_i32_0 = arith.constant 0 : i32
    %c0_i32_1 = arith.constant 0 : i32
    return %c0_i32, %c0_i32_0 : i32, i32
  }
  func.func @transform_5(%arg0: i32) -> (i32, i32) {
    %c0_i32 = arith.constant 0 : i32
    %c0_i32_0 = arith.constant 0 : i32
    %c0_i32_1 = arith.constant 0 : i32
    return %c0_i32, %c0_i32_0 : i32, i32
  }
  func.func @transform_6(%arg0: i32) -> (i32, i32) {
    %c0_i32 = arith.constant 0 : i32
    %c0_i32_0 = arith.constant 0 : i32
    return %arg0, %c0_i32 : i32, i32
  }
  func.func @transform_7(%arg0: i32) -> (i32, i32) {
    %c0_i32 = arith.constant 0 : i32
    %c0_i32_0 = arith.constant 0 : i32
    return %arg0, %c0_i32 : i32, i32
  }
}

module attributes {stable_mosaic.version = 14 : i64} {
  func.func @_dense_body(%arg0: i32, %arg1: memref<1824x128xf32, #tpu.memory_space<vmem>>, %arg2: memref<1824x128xf32, #tpu.memory_space<vmem>>, %arg3: memref<1824x128xf32, #tpu.memory_space<vmem>>, %arg4: memref<1824x128xf32, #tpu.memory_space<vmem>>, %arg5: memref<512x128xf32, #tpu.memory_space<vmem>>, %arg6: memref<512x128xf32, #tpu.memory_space<vmem>>, %arg7: memref<128x128xf32, #tpu.memory_space<vmem>>, %arg8: memref<1x128xf32, #tpu.memory_space<vmem>>, %arg9: memref<1x128xf32, #tpu.memory_space<vmem>>, %arg10: memref<1824x128xf32, #tpu.memory_space<vmem>>, %arg11: memref<1824x128xf32, #tpu.memory_space<vmem>>) attributes {dimension_semantics = [#tpu.dimension_semantics<arbitrary>], iteration_bounds = array<i64: 7>, scalar_prefetch = 0 : i64, scratch_operands = 0 : i64, tpu.core_type = #tpu.core_type<tc>, window_params = [{transform_indices = @transform_0, window_bounds = array<i64: 1824, 128>}, {transform_indices = @transform_1, window_bounds = array<i64: 1824, 128>}, {transform_indices = @transform_2, window_bounds = array<i64: 1824, 128>}, {transform_indices = @transform_3, window_bounds = array<i64: 1824, 128>}, {pipeline_mode = #tpu.pipeline_mode<synchronous>, transform_indices = @transform_4, window_bounds = array<i64: 512, 128>}, {pipeline_mode = #tpu.pipeline_mode<synchronous>, transform_indices = @transform_5, window_bounds = array<i64: 512, 128>}, {pipeline_mode = #tpu.pipeline_mode<synchronous>, transform_indices = @transform_6, window_bounds = array<i64: 128, 128>}, {pipeline_mode = #tpu.pipeline_mode<synchronous>, transform_indices = @transform_7, window_bounds = array<i64: 1, 128>}, {pipeline_mode = #tpu.pipeline_mode<synchronous>, transform_indices = @transform_8, window_bounds = array<i64: 1, 128>}, {transform_indices = @transform_9, window_bounds = array<i64: 1824, 128>}, {transform_indices = @transform_10, window_bounds = array<i64: 1824, 128>}]} {
    %get3A = arith.constant 0 : index
    %get3A_0 = arith.constant 0 : index
    %get3A_1 = vector.load %arg1[%get3A, %get3A_0] : memref<1824x128xf32, #tpu.memory_space<vmem>>, vector<1824x128xf32>
    %get3A_2 = arith.constant 0 : index
    %get3A_3 = arith.constant 0 : index
    %get3A_4 = vector.load %arg2[%get3A_2, %get3A_3] : memref<1824x128xf32, #tpu.memory_space<vmem>>, vector<1824x128xf32>
    %get3A_5 = arith.constant 0 : index
    %get3A_6 = arith.constant 0 : index
    %get3A_7 = vector.load %arg3[%get3A_5, %get3A_6] : memref<1824x128xf32, #tpu.memory_space<vmem>>, vector<1824x128xf32>
    %get3A_8 = arith.constant 0 : index
    %get3A_9 = arith.constant 0 : index
    %get3A_10 = vector.load %arg4[%get3A_8, %get3A_9] : memref<1824x128xf32, #tpu.memory_space<vmem>>, vector<1824x128xf32>
    %concatenate3A = tpu.concatenate %get3A_1, %get3A_4, %get3A_7, %get3A_10 in 1 : vector<1824x128xf32>, vector<1824x128xf32>, vector<1824x128xf32>, vector<1824x128xf32> -> vector<1824x512xf32>
    %get3A_11 = arith.constant 0 : index
    %get3A_12 = arith.constant 0 : index
    %get3A_13 = vector.load %arg5[%get3A_11, %get3A_12] : memref<512x128xf32, #tpu.memory_space<vmem>>, vector<512x128xf32>
    %dot_general3A = arith.constant dense<0.000000e+00> : vector<1824x128xf32>
    %dot_general3A_14 = tpu.matmul %concatenate3A, %get3A_13, %dot_general3A {dimension_numbers = #tpu.dot_dimension_numbers<[1], [0], [0], [1], [0, 0, 1, 1], [], []>, transpose_lhs_hint = false} : vector<1824x512xf32>, vector<512x128xf32>, vector<1824x128xf32> -> vector<1824x128xf32>
    %get3A_15 = arith.constant 0 : index
    %get3A_16 = arith.constant 0 : index
    %get3A_17 = vector.load %arg6[%get3A_15, %get3A_16] : memref<512x128xf32, #tpu.memory_space<vmem>>, vector<512x128xf32>
    %dot_general3A_18 = arith.constant dense<0.000000e+00> : vector<1824x128xf32>
    %dot_general3A_19 = tpu.matmul %concatenate3A, %get3A_17, %dot_general3A_18 {dimension_numbers = #tpu.dot_dimension_numbers<[1], [0], [0], [1], [0, 0, 1, 1], [], []>, transpose_lhs_hint = false} : vector<1824x512xf32>, vector<512x128xf32>, vector<1824x128xf32> -> vector<1824x128xf32>
    %get3A_20 = arith.constant 0 : index
    %get3A_21 = arith.constant 0 : index
    %get3A_22 = vector.load %arg8[%get3A_20, %get3A_21] : memref<1x128xf32, #tpu.memory_space<vmem>>, vector<1x128xf32>
    %add3A = vector.broadcast %get3A_22 : vector<1x128xf32> to vector<1824x128xf32>
    %add3A_23 = arith.addf %dot_general3A_14, %add3A : vector<1824x128xf32>
    %max3A = arith.constant 0.000000e+00 : f32
    %max3A_24 = vector.broadcast %max3A : f32 to vector<1824x128xf32>
    %max3A_25 = arith.maximumf %add3A_23, %max3A_24 : vector<1824x128xf32>
    %get3A_26 = arith.constant 0 : index
    %get3A_27 = arith.constant 0 : index
    %get3A_28 = vector.load %arg9[%get3A_26, %get3A_27] : memref<1x128xf32, #tpu.memory_space<vmem>>, vector<1x128xf32>
    %add3A_29 = vector.broadcast %get3A_28 : vector<1x128xf32> to vector<1824x128xf32>
    %add3A_30 = arith.addf %dot_general3A_19, %add3A_29 : vector<1824x128xf32>
    %max3A_31 = arith.constant 0.000000e+00 : f32
    %max3A_32 = vector.broadcast %max3A_31 : f32 to vector<1824x128xf32>
    %max3A_33 = arith.maximumf %add3A_30, %max3A_32 : vector<1824x128xf32>
    %mul3A = arith.mulf %max3A_25, %max3A_25 : vector<1824x128xf32>
    %mul3A_34 = arith.mulf %max3A_33, %max3A_33 : vector<1824x128xf32>
    %add3A_35 = arith.addf %mul3A, %mul3A_34 : vector<1824x128xf32>
    %get3A_36 = arith.constant 0 : index
    %get3A_37 = arith.constant 0 : index
    %get3A_38 = vector.load %arg7[%get3A_36, %get3A_37] : memref<128x128xf32, #tpu.memory_space<vmem>>, vector<128x128xf32>
    %dot_general3A_39 = arith.constant dense<0.000000e+00> : vector<1824x128xf32>
    %dot_general3A_40 = tpu.matmul %add3A_35, %get3A_38, %dot_general3A_39 {dimension_numbers = #tpu.dot_dimension_numbers<[1], [0], [0], [1], [0, 0, 1, 1], [], []>, transpose_lhs_hint = false} : vector<1824x128xf32>, vector<128x128xf32>, vector<1824x128xf32> -> vector<1824x128xf32>
    %sqrt3A = math.sqrt %dot_general3A_40 : vector<1824x128xf32>
    %max3A_41 = arith.constant 9.99999996E-13 : f32
    %max3A_42 = vector.broadcast %max3A_41 : f32 to vector<1824x128xf32>
    %max3A_43 = arith.maximumf %sqrt3A, %max3A_42 : vector<1824x128xf32>
    %div3A = arith.constant 1.000000e+00 : f32
    %div3A_44 = vector.broadcast %div3A : f32 to vector<1824x128xf32>
    %div3A_45 = arith.divf %div3A_44, %max3A_43 : vector<1824x128xf32>
    %mul3A_46 = arith.mulf %max3A_25, %div3A_45 : vector<1824x128xf32>
    %swap3A = arith.constant 0 : index
    %swap3A_47 = arith.constant 0 : index
    %swap3A_48 = vector.load %arg10[%swap3A, %swap3A_47] : memref<1824x128xf32, #tpu.memory_space<vmem>>, vector<1824x128xf32>
    tpu.vector_store %arg10[%swap3A, %swap3A_47], %mul3A_46 {strides = array<i32>} : memref<1824x128xf32, #tpu.memory_space<vmem>>, vector<1824x128xf32>,
    %mul3A_49 = arith.mulf %max3A_33, %div3A_45 : vector<1824x128xf32>
    %swap3A_50 = arith.constant 0 : index
    %swap3A_51 = arith.constant 0 : index
    %swap3A_52 = vector.load %arg11[%swap3A_50, %swap3A_51] : memref<1824x128xf32, #tpu.memory_space<vmem>>, vector<1824x128xf32>
    tpu.vector_store %arg11[%swap3A_50, %swap3A_51], %mul3A_49 {strides = array<i32>} : memref<1824x128xf32, #tpu.memory_space<vmem>>, vector<1824x128xf32>,
    return
  }
  func.func @transform_0(%arg0: i32) -> (i32, i32) {
    %c0_i32 = arith.constant 0 : i32
    %c0_i32_0 = arith.constant 0 : i32
    return %arg0, %c0_i32 : i32, i32
  }
  func.func @transform_1(%arg0: i32) -> (i32, i32) {
    %c0_i32 = arith.constant 0 : i32
    %c0_i32_0 = arith.constant 0 : i32
    return %arg0, %c0_i32 : i32, i32
  }
  func.func @transform_2(%arg0: i32) -> (i32, i32) {
    %c0_i32 = arith.constant 0 : i32
    %c0_i32_0 = arith.constant 0 : i32
    return %arg0, %c0_i32 : i32, i32
  }
  func.func @transform_3(%arg0: i32) -> (i32, i32) {
    %c0_i32 = arith.constant 0 : i32
    %c0_i32_0 = arith.constant 0 : i32
    return %arg0, %c0_i32 : i32, i32
  }
  func.func @transform_4(%arg0: i32) -> (i32, i32) {
    %c0_i32 = arith.constant 0 : i32
    %c0_i32_0 = arith.constant 0 : i32
    %c0_i32_1 = arith.constant 0 : i32
    return %c0_i32, %c0_i32_0 : i32, i32
  }
  func.func @transform_5(%arg0: i32) -> (i32, i32) {
    %c0_i32 = arith.constant 0 : i32
    %c0_i32_0 = arith.constant 0 : i32
    %c0_i32_1 = arith.constant 0 : i32
    return %c0_i32, %c0_i32_0 : i32, i32
  }
  func.func @transform_6(%arg0: i32) -> (i32, i32) {
    %c0_i32 = arith.constant 0 : i32
    %c0_i32_0 = arith.constant 0 : i32
    %c0_i32_1 = arith.constant 0 : i32
    return %c0_i32, %c0_i32_0 : i32, i32
  }
  func.func @transform_7(%arg0: i32) -> (i32, i32) {
    %c0_i32 = arith.constant 0 : i32
    %c0_i32_0 = arith.constant 0 : i32
    %c0_i32_1 = arith.constant 0 : i32
    return %c0_i32, %c0_i32_0 : i32, i32
  }
  func.func @transform_8(%arg0: i32) -> (i32, i32) {
    %c0_i32 = arith.constant 0 : i32
    %c0_i32_0 = arith.constant 0 : i32
    %c0_i32_1 = arith.constant 0 : i32
    return %c0_i32, %c0_i32_0 : i32, i32
  }
  func.func @transform_9(%arg0: i32) -> (i32, i32) {
    %c0_i32 = arith.constant 0 : i32
    %c0_i32_0 = arith.constant 0 : i32
    return %arg0, %c0_i32 : i32, i32
  }
  func.func @transform_10(%arg0: i32) -> (i32, i32) {
    %c0_i32 = arith.constant 0 : i32
    %c0_i32_0 = arith.constant 0 : i32
    return %arg0, %c0_i32 : i32, i32
  }
}

</mosaic_0001>

<sc_bundles>
// kernel: body.10.cloned.1.call-start
scs
__scs_entry_jumppad:
0x0: {  	(pc) =	sbr.rel $0x88, $3  }
0x1: {  	(tag) =	ssettag $0x0;
	lr =	simm.s32 $0x1  }
0x2: {  	[smem:$0x3F97] =	sst lr;
	_ =	strace $0xD0000000  }
0x3: {  	_ = 	snop  }
0x4: {  	_ = 	snop  }
0x5: {  	_ = 	snop  }
0x6: {  	_ = 	snop  }
0x7: {  	_ = 	snop  }
__scs_overlays_trampoline_lowered:
0x8: {  	[smem:$0x3FA6] =	sst s0  }
0x9: {  	[smem:$0x3FA7] =	sst s1  }
0xa: {  	[smem:$0x3FA8] =	sst s2  }
0xb: {  	[smem:$0x3FA9] =	sst s3  }
0xc: {  	[smem:$0x3FAA] =	sst s4  }
0xd: {  	[smem:$0x3FAB] =	sst s5  }
0xe: {  	[smem:$0x3FAC] =	sst s6  }
0xf: {  	[smem:$0x3FAD] =	sst s7  }
0x10: {  	[smem:$0x3FAE] =	sst s8  }
0x11: {  	[smem:$0x3FAF] =	sst s9;
	s0 =	simm.s32 @!p0 $0x0  }
0x12: {  	s1 =	sld [smem:$0x3F95];
	s0 =	simm.s32 @p0 $0x1  }
0x13: {  	[smem:$0x3FB0] =	sst s0;
	s0 =	simm.s32 @!p1 $0x0  }
0x14: {  	s2 =	sld [smem:$0x3F94];
	s0 =	simm.s32 @p1 $0x1  }
0x15: {  	[smem:$0x3FB1] =	sst s0;
	s0 =	simm.s32 @!p2 $0x0  }
0x16: {  	s3 =	sld [smem:$0x3FDB];
	s0 =	simm.s32 @p2 $0x1  }
0x17: {  	s4 =	simm.s32 $0x1BF5;
	[smem:$0x3FB3] =	sst s0  }
0x18: {  	s0 =	sld [smem:$0x3F96];
	_ =	swait.ge [sflag:s4], $0x0  }
0x19: {  	s7 =	sld [smem:$0x3F97]  }
0x1a: {  	s8 =	sadd.s32 $0xFFFFE003, lr  }
0x1b: {  	s9 =	sadd.s32 $0xFFFFFEF7, lr;
	s5 =	simm.s32 $0xFFFFFFFF;
	p2 =	slt.u32 s8, $0xFFFFF086  }
0x1c: {  	p1 =	slt.u32 s9, $0xF7A;
	s5 =	simm.s32 @!p2 $0x0  }
0x1d: {  	s5 =	simm.s32 @p1 $0x1;
	p0 =	seq.s32 s7, s2  }
0x1e: {  	s7 =	smul.u32 @!p0 $0xF7A, s2;
	p2 =	seq.s32 @!p0 s5, $0x0  }
0x1f: {  	s9 =	smul.u32 $0xF7A, s1;
	s8 =	simm.s32 @!p0 $0x1BF5;
	p2 =	por !p2, p0  }
0x20: {  	[sflag:s8] =	ssyncset.s32 @!p0 $0xFFFFF086;
	s6 =	sadd.s32 @!p0 s3, s7;
	s7 =	simm.s32 @!p0 $0x108  }
0x21: {  	s3 =	sadd.s32 s3, s9;
	s6 =	sadd.s32 @!p0 $0x88, s6;
	s7 =	simm.s32 @p2 $0x1082  }
0x22: {  	[simem:s7], [sflag:s8] =	dma.local @!p0 [hbm:s6], $0xF7A  }
0x23: {  	s9 =	sor.u32 $0xD0000000, s2;
	s6 =	simm.s32 $0x108;
	_ =	swait.ge @!p0 [sflag:s8], $0x0  }
0x24: {  	s3 =	sadd.s32 $0x88, s3;
	s6 =	simm.s32 @!p1 $0x1082;
	[sflag:s4] =	ssyncset.s32 $0xFFFFF086  }
0x25: {  	[simem:s6], [sflag:s4] =	dma.local [hbm:s3], $0xF7A  }
0x26: {  	[smem:$0x3F97] =	sst s1;
	(tag) =	ssettag s2;
	_ =	strace s9  }
0x27: {  	s1 =	sld [smem:$0x3FA7]  }
0x28: {  	s2 =	sld [smem:$0x3FA8]  }
0x29: {  	s4 =	sld [smem:$0x3FAA]  }
0x2a: {  	p0 =	seq.s32 s5, $0x0;
	s5 =	sld [smem:$0x3FAB]  }
0x2b: {  	s6 =	sld [smem:$0x3FAC]  }
0x2c: {  	s7 =	sld [smem:$0x3FAD]  }
0x2d: {  	s3 =	simm.s32 $0x108;
	s8 =	sld [smem:$0x3FAE]  }
0x2e: {  	s3 =	simm.s32 @!p0 $0x1082;
	s9 =	sld [smem:$0x3FAF]  }
0x2f: {  	lr =	sadd.s32 s0, s3;
	s0 =	sld [smem:$0x3FA6]  }
0x30: {  	s3 =	sld [smem:$0x3FA9]  }
0x31: {  	[smem:$0x3FB2] =	sst s10  }
0x32: {  	s10 =	sld [smem:$0x3FB0];
	_ =	sdelay $0x3  }
0x33: {  	p0 =	seq.s32 s10, $0x1;
	s10 =	sld [smem:$0x3FB2];
	_ =	sdelay $0x3  }
0x34: {  	[smem:$0x3FB2] =	sst s10  }
0x35: {  	s10 =	sld [smem:$0x3FB1];
	_ =	sdelay $0x3  }
0x36: {  	p1 =	seq.s32 s10, $0x1;
	s10 =	sld [smem:$0x3FB2];
	_ =	sdelay $0x3  }
0x37: {  	[smem:$0x3FB2] =	sst s10  }
0x38: {  	s10 =	sld [smem:$0x3FB3]  }
0x39: {  	_ = 	snop;
	(pc) =	sbr.ind lr, $3  }
0x3a: {  	_ = 	snop  }
0x3b: {  	_ = 	snop  }
0x3c: {  	p2 =	seq.s32 s10, $0x1;
	s10 =	sld [smem:$0x3FB2]  }
0x3d: {  	_ =	shalt  }
0x3e: {  	_ =	shalt  }
0x3f: {  	_ =	shalt  }
0x40: {  	_ =	shalt  }
0x41: {  	_ =	shalt  }
0x42: {  	_ =	shalt  }
0x43: {  	_ =	shalt  }
0x44: {  	_ =	shalt  }
0x45: {  	_ =	shalt  }
0x46: {  	_ =	shalt  }
0x47: {  	_ =	shalt  }
0x48: {  	_ =	shalt  }
0x49: {  	_ =	shalt  }
0x4a: {  	_ =	shalt  }
0x4b: {  	_ =	shalt  }
0x4c: {  	_ =	shalt  }
0x4d: {  	_ =	shalt  }
0x4e: {  	_ =	shalt  }
0x4f: {  	_ =	shalt  }
0x50: {  	_ =	shalt  }
0x51: {  	_ =	shalt  }
0x52: {  	_ =	shalt  }
0x53: {  	_ =	shalt  }
0x54: {  	_ =	shalt  }
0x55: {  	_ =	shalt  }
0x56: {  	_ =	shalt  }
0x57: {  	_ =	shalt  }
0x58: {  	_ =	shalt  }
0x59: {  	_ =	shalt  }
0x5a: {  	_ =	shalt  }
0x5b: {  	_ =	shalt  }
0x5c: {  	_ =	shalt  }
0x5d: {  	_ =	shalt  }
0x5e: {  	_ =	shalt  }
0x5f: {  	_ =	shalt  }
0x60: {  	_ =	shalt  }
0x61: {  	_ =	shalt  }
0x62: {  	_ =	shalt  }
0x63: {  	_ =	shalt  }
0x64: {  	_ =	shalt  }
0x65: {  	_ =	shalt  }
0x66: {  	_ =	shalt  }
0x67: {  	_ =	shalt  }
0x68: {  	_ =	shalt  }
0x69: {  	_ =	shalt  }
0x6a: {  	_ =	shalt  }
0x6b: {  	_ =	shalt  }
0x6c: {  	_ =	shalt  }
0x6d: {  	_ =	shalt  }
0x6e: {  	_ =	shalt  }
0x6f: {  	_ =	shalt  }
0x70: {  	_ =	shalt  }
0x71: {  	_ =	shalt  }
0x72: {  	_ =	shalt  }
0x73: {  	_ =	shalt  }
0x74: {  	_ =	shalt  }
0x75: {  	_ =	shalt  }
0x76: {  	_ =	shalt  }
0x77: {  	_ =	shalt  }
0x78: {  	_ =	shalt  }
0x79: {  	_ =	shalt  }
0x7a: {  	_ =	shalt  }
0x7b: {  	_ =	shalt  }
0x7c: {  	_ =	shalt  }
0x7d: {  	_ =	shalt  }
0x7e: {  	_ =	shalt  }
0x7f: {  	_ =	shalt  }
0x80: {  	_ =	shalt  }
0x81: {  	_ =	shalt  }
0x82: {  	_ =	shalt  }
0x83: {  	_ =	shalt  }
0x84: {  	_ =	shalt  }
0x85: {  	_ =	shalt  }
0x86: {  	_ =	shalt  }
0x87: {  	_ =	shalt  }
.Lfunc_end0:
.L_simem_size_0:
called_computation_lowered:
.L_overlay_start_0:
0x88: {  	s2 =	sld [smem:$0x3FD9]  }
0x89: {  	s3 =	sld [smem:$0x3FFE];
	_ =	sdelay $0x1  }
0x8a: {  	s1 =	srdreg.scid  }
0x8b: {  	s0 =	sand.u32 $0x1, s1  }
0x8c: {  	s14 =	sshll.u32 s0, $0xA;
	s2 =	sadd.s32 s3, s2  }
0x8d: {  	s2 =	sadd.s32 s2, s14  }
0x8e: {  	[smem:$0x3FBE] =	sst s2  }
0x8f: {  	_ = 	snop  }
0x90: {  	s2 =	sld [smem:$0x3FD0];
	_ =	sdelay $0x2  }
0x91: {  	s15 =	simm.s32 $0xA;
	s4 =	simm.s32 $0x10  }
0x92: {  	[smem:s4], [sflag:s15] =	dma.local [hbm:s2], $0x1  }
0x93: {  	_ =	swait.eq [sflag:s15], $0x1  }
0x94: {  	[sflag:s15] =	ssyncset.done $0x0  }
0x95: {  	[sflag:s15] =	ssyncadd.s32 $0xFFFFFFFF  }
0x96: {  	s16 =	sld [smem:$0x10];
	(tm) =	ssettm $0x1  }
0x97: {  	s17 =	sld [smem:$0x3FFB];
	_ =	sdelay $0x3  }
0x98: {  	_ =	strace s17  }
0x99: {  	s3 =	sld [smem:$0x3FFC];
	_ =	sdelay $0x3  }
0x9a: {  	_ =	strace s3  }
0x9b: {  	s3 =	sld [smem:$0x3FFD];
	_ =	sdelay $0x3  }
0x9c: {  	_ =	strace s3  }
0x9d: {  	_ =	strace $0x8FFFFFFF  }
0x9e: {  	s18 =	sld [smem:$0x3FDB];
	_ =	sdelay $0x1  }
0x9f: {  	s19 =	simm.s32 $_scs_section_size  }
0xa0: {  	s5 =	simm.s32 $_size__tile_overlayer_lowered;
	s6 =	simm.s32 $_tile_overlayer_lowered  }
0xa1: {  	s22 =	simm.s32 $0x1BFF;
	s21 =	sshll.u32 s6, $0x1;
	s3 =	sadd.s32 s19, s18  }
0xa2: {  	s7 =	simm.s32 $0x0;
	s20 =	sshll.u32 s5, $0x1;
	s5 =	sadd.s32 s21, s3  }
0xa3: {  	[timem:s7], [sflag:s22] =	dma.local [hbm:s5], s20  }
0xa4: {  	_ =	swait.ge [sflag:s22], s20  }
0xa5: {  	s4 =	ssub.s32 $0x0, s20;
	[sflag:s22] =	ssyncset.done $0x0  }
0xa6: {  	[sflag:s22] =	ssyncadd.s32 s4;
	_ =	sdelay $0x1  }
0xa7: {  	s23 =	simm.s32 $0x1B8B  }
0xa8: {  	_ =	swait.ge [sflag:s23], $0x1  }
0xa9: {  	[sflag:s23] =	ssyncset.done $0x0  }
0xaa: {  	s25 =	simm.s32 $0x1B8E;
	s24 =	sld [smem:$0x3FFE];
	[sflag:s23] =	ssyncadd.s32 $0xFFFFFFFF  }
0xab: {  	s26 =	simm.s32 $execute0_lowered;
	[smem:$0x3FD2] =	sst s25  }
0xac: {  	s5 =	sshll.u32 s26, $0x1;
	_ =	strace $0x80000046;
	[dreg:$0x1] =	wrdreg $0xFFFFFFFF  }
0xad: {  	s28 =	simm.s32 $_size_execute0_lowered;
	s3 =	sadd.s32 s3, s5;
	[dreg:$0x0] =	wrdreg $0x0  }
0xae: {  	s5 =	sshll.u32 s28, $0x1;
	[dreg:$0x2] =	wrdreg s3  }
0xaf: {  	[dreg:$0x3] =	wrdreg s5  }
0xb0: {  	[dreg:$0x4] =	wrdreg $0xC0  }
0xb1: {  	_ =	task [dreg:s7], $0x5FFFF  }
0xb2: {  	[dreg:$0x1] =	wrdreg $0xFFFFFFFF  }
0xb3: {  	[dreg:$0x0] =	wrdreg $0x60  }
0xb4: {  	[dreg:$0x2] =	wrdreg s24  }
0xb5: {  	[dreg:$0x3] =	wrdreg s16  }
0xb6: {  	[dreg:$0x4] =	wrdreg $0x6E800  }
0xb7: {  	[dreg:$0x5] =	wrdreg $0x9  }
0xb8: {  	_ =	task.clear_ibuf [dreg:s7], $0x6FFFF;
	_ =	strace $0x90000046  }
0xb9: {  	s29 =	simm.s32 $0x9;
	_ =	strace $0x80000048  }
0xba: {  	_ =	swait.ge [sflag:s29], $0x1  }
0xbb: {  	[sflag:s29] =	ssyncadd.s32 $0xFFFFFFFF  }
0xbc: {  	_ =	strace $0x90000048  }
0xbd: {  	_ =	sfence  }
0xbe: {  	s30 =	sld [smem:$0x0];
	_ =	sdelay $0x2  }
0xbf: {  	s31 =	sshll.u32 s1, $0xD;
	s1 =	sshrl.u32 s1, $0x2  }
0xc0: {  	s3 =	sand.u32 $0x4000, s31;
	s1 =	sadd.s32 s1, s30  }
0xc1: {  	s0 =	sor.u32 s3, s0;
	s1 =	sshll.u32 s1, $0x11  }
0xc2: {  	s0 =	sor.u32 s1, s0  }
0xc3: {  	s0 =	sadd.s32 $0x8F2B, s0  }
0xc4: {  	[sflag:s0] =	ssyncadd.remote.s32 $0x1  }
0xc5: {  	_ =	sfence.sel $0xFFFF  }
0xc6: {  	[dreg:$0x0] =	wrdreg $0xFFFFFFFF;
	(pc) =	sbr.abs _section_cstart, $3  }
0xc7: {  	[dreg:$0x1] =	wrdreg $0xFFFFFFFF  }
0xc8: {  	_ =	task.clear_ibuf [dreg:s7], $0x2FFFF;
	_ =	strace $0x9FFFFFFF  }
0xc9: {  	(tm) =	ssettm $0x7FFFFFFF  }
tec
execute0_lowered:
.L_overlay_start_1:
0x0: {  	(tag) =	ssettag $0x1  }
0x1: {  	s0 =	rddreg [dreg:$0x0]  }
0x2: {  	s2 =	rddreg [dreg:$0x1]  }
0x3: {  	s1 =	rddreg [dreg:$0x2]  }
0x4: {  	s3 =	simm.s32 $0x0;
	s4 =	srdreg.scid;
	s16 =	stileid.u32  }
0x5: {  	s28 =	simm.s32 $0x2;
	s29 =	simm.s32 $0x3A80;
	s30 =	simm.s32 $0x5  }
0x6: {  	s31 =	simm.s32 $0x4;
	[smem:$0x7FF] =	sst s3;
	s5 =	smul.u32 $0xD000, s16  }
0x7: {  	s4 =	sand.u32 $0x1, s4;
	s19 =	sadd.s32 $0x4600, s0;
	s8 =	smul.u32 $0x18F00, s16  }
0x8: {  	s18 =	sadd.s32 $0x1E600, s0;
	s21 =	sshll.u32 s16, $0x6;
	s26 =	smul.u32 $0x1A00, s16  }
0x9: {  	_ =	strace $0x80000047;
	s6 =	ssub.s32 $0x2, s4;
	p0 =	seq.s32 s4, $0x0  }
0xa: {  	p1 =	seq.s32 s4, $0x1;
	s4 =	simm.s32 $0x38600;
	s7 =	sshrl.u32 s6, $0x1  }
0xb: {  	s15 =	sshrl.u32 s5, $0x3;
	s20 =	sadd.s32 s8, s1;
	s22 =	sor.u32 $0x1A0, s5  }
0xc: {  	s5 =	sor.u32 $0x340, s5;
	s4 =	simm.s32 @!p0 $0x6A400;
	s9 =	ssub.s32 s6, s7  }
0xd: {  	s14 =	sadd.s32 s19, s15;
	s17 =	sadd.s32 s18, s15;
	[dreg:$0x6] =	wrdreg s20  }
0xe: {  	s24 =	sshrl.u32 s5, $0x3;
	s5 =	simm.s32 $0xCE000;
	[dreg:$0x4] =	wrdreg s14  }
0xf: {  	s25 =	sadd.s32 $0x19CC, s15;
	s20 =	simm.s32 $0x340;
	[dreg:$0x5] =	wrdreg s17  }
0x10: {  	s17 =	sshrl.u32 s8, $0x3;
	s8 =	sor.u32 $0x1C07, s21;
	s23 =	smax.u32 s9, $0x1  }
0x11: {  	s12 =	sadd.s32 s19, s24;
	s13 =	sadd.s32 s18, s24;
	s14 =	sadd.s32 s4, s0  }
0x12: {  	s5 =	simm.s32 @!p1 $0x9C200;
	s15 =	sadd.s32 s19, s25;
	s16 =	sadd.s32 s18, s25  }
0x13: {  	s21 =	simm.s32 $0x7;
	s24 =	simm.s32 $0x680;
	s25 =	simm.s32 $0x4E0  }
0x14: {  	s2 =	sadd.s32 s2, s17;
	[dreg:$0x8] =	wrdreg s23;
	s0 =	sadd.s32 s5, s0  }
0x15: {  	s23 =	simm.s32 $0x1A0;
	[dreg:$0x7] =	wrdreg s2;
	s2 =	sshrl.u32 s22, $0x3  }
0x16: {  	s17 =	sadd.s32 s0, s17;
	s22 =	simm.s32 $0x1;
	s0 =	simm.s32 $0x6  }
0x17: {  	s10 =	sadd.s32 s19, s2;
	s11 =	sadd.s32 s18, s2;
	s18 =	sadd.s32 s26, s18  }
0x18: {  	s19 =	sadd.s32 s26, s19;
	s26 =	simm.s32 $0x3;
	s2 =	simm.s32 $0x0  }
.LBB2_1:
0x19: {  	s4 =	rddreg [dreg:$0x4]  }
0x1a: {  	s6 =	rddreg [dreg:$0x5]  }
0x1b: {  	s7 =	rddreg [dreg:$0x6]  }
0x1c: {  	[tilespmem:s3], [sflag:$0x1] =	stream.linear.gather [hbm4b:s4+s3], $0x1A0, $0x38;
	[tilespmem:$0x1FD80] =	vst v63  }
0x1d: {  	s5 =	rddreg [dreg:$0x7];
	s4 =	sshrl.u32 s7, $0x3  }
0x1e: {  	[tilespmem:s20], [sflag:$0x1] =	stream.linear.gather [hbm4b:s6+s3], $0x1A0, $0x38;
	[tilespmem:$0x1FD80] =	vst v63  }
0x1f: {  	[spmem:s4], [sflag:s8] =	dma.local [hbm:s5], $0x31E0  }
0x20: {  	_ =	swait.ge [sflag:s21], $0x31E0  }
0x21: {  	[sflag:s21] =	ssyncset.done $0x0  }
0x22: {  	[sflag:s21] =	ssyncadd.s32 $0xFFFFCE20  }
0x23: {  	[bflag:$0x0] =	sbarrier.arrive $0xFFFF  }
0x24: {  	_ =	swait.ge [sflag:s22], $0x1A0  }
0x25: {  	[sflag:s22] =	ssyncset.done $0x0  }
0x26: {  	[sflag:s22] =	ssyncadd.s32 $0xFFFFFE60  }
0x27: {  	_ =	swait.ge [sflag:s22], $0x1A0  }
0x28: {  	[sflag:s22] =	ssyncset.done $0x0  }
0x29: {  	[sflag:s22] =	ssyncadd.s32 $0xFFFFFE60  }
0x2a: {  	[tilespmem:s24], [sflag:$0x3] =	stream.indirect.gather [hbm4b:s14+s23], $0x20, s3, s23, $0xb8;
	[tilespmem:$0x1FD80] =	vst v63  }
0x2b: {  	_ = 	snop  }
0x2c: {  	[tilespmem:s23], [sflag:$0x2] =	stream.linear.gather [hbm4b:s10+s3], $0x1A0, $0x38;
	[tilespmem:$0x1FD80] =	vst v63  }
0x2d: {  	_ = 	snop  }
0x2e: {  	[tilespmem:s25], [sflag:$0x2] =	stream.linear.gather [hbm4b:s11+s3], $0x1A0, $0x38;
	[tilespmem:$0x1FD80] =	vst v63  }
0x2f: {  	_ =	swait.ge [sflag:s26], $0x3400  }
0x30: {  	[sflag:s26] =	ssyncset.done $0x0  }
0x31: {  	[sflag:s26] =	ssyncadd.s32 $0xFFFFCC00  }
0x32: {  	[spmem:s1] =	stream.indirect.scatter.add.f32 [tilespmem:s24], [sflag:$0x5], $0x20, s20, s23, $0xb8;
	[tilespmem:$0x1FD80] =	vst v63  }
0x33: {  	_ =	swait.ge [sflag:s28], $0x1A0  }
0x34: {  	[sflag:s28] =	ssyncset.done $0x0  }
0x35: {  	[sflag:s28] =	ssyncadd.s32 $0xFFFFFE60  }
0x36: {  	_ =	swait.ge [sflag:s28], $0x1A0  }
0x37: {  	[sflag:s28] =	ssyncset.done $0x0  }
0x38: {  	[sflag:s28] =	ssyncadd.s32 $0xFFFFFE60  }
0x39: {  	[tilespmem:s29], [sflag:$0x4] =	stream.indirect.gather [hbm4b:s14+s23], $0x20, s23, s23, $0xb8;
	[tilespmem:$0x1FD80] =	vst v63  }
0x3a: {  	_ =	swait.ge [sflag:s30], $0x3400  }
0x3b: {  	[sflag:s30] =	ssyncset.done $0x0  }
0x3c: {  	[sflag:s30] =	ssyncadd.s32 $0xFFFFCC00  }
0x3d: {  	[tilespmem:s3], [sflag:$0x1] =	stream.linear.gather [hbm4b:s12+s3], $0x1A0, $0x38;
	[tilespmem:$0x1FD80] =	vst v63  }
0x3e: {  	_ = 	snop  }
0x3f: {  	[tilespmem:s20], [sflag:$0x1] =	stream.linear.gather [hbm4b:s13+s3], $0x1A0, $0x38;
	[tilespmem:$0x1FD80] =	vst v63  }
0x40: {  	_ =	swait.ge [sflag:s31], $0x3400  }
0x41: {  	[sflag:s31] =	ssyncset.done $0x0  }
0x42: {  	[sflag:s31] =	ssyncadd.s32 $0xFFFFCC00  }
0x43: {  	[spmem:s1] =	stream.indirect.scatter.add.f32 [tilespmem:s29], [sflag:$0x6], $0x20, s25, s23, $0xb8;
	[tilespmem:$0x1FD80] =	vst v63  }
0x44: {  	_ =	swait.ge [sflag:s22], $0x1A0  }
0x45: {  	[sflag:s22] =	ssyncset.done $0x0  }
0x46: {  	[sflag:s22] =	ssyncadd.s32 $0xFFFFFE60  }
0x47: {  	_ =	swait.ge [sflag:s22], $0x1A0  }
0x48: {  	[sflag:s22] =	ssyncset.done $0x0  }
0x49: {  	[sflag:s22] =	ssyncadd.s32 $0xFFFFFE60  }
0x4a: {  	[tilespmem:s24], [sflag:$0x3] =	stream.indirect.gather [hbm4b:s14+s23], $0x20, s3, s23, $0xb8;
	[tilespmem:$0x1FD80] =	vst v63  }
0x4b: {  	_ =	swait.ge [sflag:s0], $0x3400  }
0x4c: {  	s5 =	sadd.s32 $0xFFFFE6D0, s19;
	[sflag:s0] =	ssyncset.done $0x0  }
0x4d: {  	s7 =	sadd.s32 $0xFFFFE6D0, s18;
	s6 =	sadd.s32 $0x19CC, s5;
	[sflag:s0] =	ssyncadd.s32 $0xFFFFCC00  }
0x4e: {  	[tilespmem:s23], [sflag:$0x2] =	stream.linear.gather [hbm4b:s6+s3], $0x1A0, $0x38;
	[tilespmem:$0x1FD80] =	vst v63  }
0x4f: {  	s9 =	sadd.s32 $0x19CC, s7  }
0x50: {  	[tilespmem:s25], [sflag:$0x2] =	stream.linear.gather [hbm4b:s9+s3], $0x1A0, $0x38;
	[tilespmem:$0x1FD80] =	vst v63  }
0x51: {  	_ =	swait.ge [sflag:s26], $0x3400  }
0x52: {  	[sflag:s26] =	ssyncset.done $0x0  }
0x53: {  	[sflag:s26] =	ssyncadd.s32 $0xFFFFCC00  }
0x54: {  	[spmem:s1] =	stream.indirect.scatter.add.f32 [tilespmem:s24], [sflag:$0x5], $0x20, s20, s23, $0xb8;
	[tilespmem:$0x1FD80] =	vst v63  }
0x55: {  	_ =	swait.ge [sflag:s28], $0x1A0  }
0x56: {  	[sflag:s28] =	ssyncset.done $0x0  }
0x57: {  	[sflag:s28] =	ssyncadd.s32 $0xFFFFFE60  }
0x58: {  	_ =	swait.ge [sflag:s28], $0x1A0  }
0x59: {  	[sflag:s28] =	ssyncset.done $0x0  }
0x5a: {  	[sflag:s28] =	ssyncadd.s32 $0xFFFFFE60  }
0x5b: {  	[tilespmem:s29], [sflag:$0x4] =	stream.indirect.gather [hbm4b:s14+s23], $0x20, s23, s23, $0xb8;
	[tilespmem:$0x1FD80] =	vst v63  }
0x5c: {  	_ =	swait.ge [sflag:s30], $0x3400  }
0x5d: {  	[sflag:s30] =	ssyncset.done $0x0  }
0x5e: {  	s5 =	sadd.s32 $0x1A00, s5;
	[sflag:s30] =	ssyncadd.s32 $0xFFFFCC00  }
0x5f: {  	[tilespmem:s3], [sflag:$0x1] =	stream.linear.gather [hbm4b:s5+s3], $0x1A0, $0x38;
	[tilespmem:$0x1FD80] =	vst v63  }
0x60: {  	s9 =	sadd.s32 $0x1A00, s7  }
0x61: {  	[tilespmem:s20], [sflag:$0x1] =	stream.linear.gather [hbm4b:s9+s3], $0x1A0, $0x38;
	[tilespmem:$0x1FD80] =	vst v63  }
0x62: {  	_ =	swait.ge [sflag:s31], $0x3400  }
0x63: {  	[sflag:s31] =	ssyncset.done $0x0  }
0x64: {  	s5 =	simm.s32 $0xFFFFE738;
	[sflag:s31] =	ssyncadd.s32 $0xFFFFCC00  }
.LBB2_2:
0x65: {  	[spmem:s1] =	stream.indirect.scatter.add.f32 [tilespmem:s29], [sflag:$0x6], $0x20, s25, s23, $0xb8;
	[tilespmem:$0x1FD80] =	vst v63  }
0x66: {  	s6 =	smov.u32 s5  }
0x67: {  	p0 =	sne.s32 s5, $0xFFFFFF98;
	s5 =	sadd.s32 $0x68, s5;
	_ =	swait.ge [sflag:s22], $0x1A0  }
0x68: {  	[sflag:s22] =	ssyncset.done $0x0  }
0x69: {  	[sflag:s22] =	ssyncadd.s32 $0xFFFFFE60  }
0x6a: {  	_ =	swait.ge [sflag:s22], $0x1A0  }
0x6b: {  	[sflag:s22] =	ssyncset.done $0x0  }
0x6c: {  	[sflag:s22] =	ssyncadd.s32 $0xFFFFFE60  }
0x6d: {  	[tilespmem:s24], [sflag:$0x3] =	stream.indirect.gather [hbm4b:s14+s23], $0x20, s3, s23, $0xb8;
	[tilespmem:$0x1FD80] =	vst v63  }
0x6e: {  	_ =	swait.ge [sflag:s0], $0x3400  }
0x6f: {  	s7 =	sadd.s32 s6, s19;
	[sflag:s0] =	ssyncset.done $0x0  }
0x70: {  	s6 =	sadd.s32 s6, s18;
	s9 =	sadd.s32 $0x19CC, s7;
	[sflag:s0] =	ssyncadd.s32 $0xFFFFCC00  }
0x71: {  	[tilespmem:s23], [sflag:$0x2] =	stream.linear.gather [hbm4b:s9+s3], $0x1A0, $0x38;
	[tilespmem:$0x1FD80] =	vst v63  }
0x72: {  	s9 =	sadd.s32 $0x19CC, s6  }
0x73: {  	[tilespmem:s25], [sflag:$0x2] =	stream.linear.gather [hbm4b:s9+s3], $0x1A0, $0x38;
	[tilespmem:$0x1FD80] =	vst v63  }
0x74: {  	_ =	swait.ge [sflag:s26], $0x3400  }
0x75: {  	[sflag:s26] =	ssyncset.done $0x0  }
0x76: {  	[sflag:s26] =	ssyncadd.s32 $0xFFFFCC00  }
0x77: {  	[spmem:s1] =	stream.indirect.scatter.add.f32 [tilespmem:s24], [sflag:$0x5], $0x20, s20, s23, $0xb8;
	[tilespmem:$0x1FD80] =	vst v63  }
0x78: {  	_ =	swait.ge [sflag:s28], $0x1A0  }
0x79: {  	[sflag:s28] =	ssyncset.done $0x0  }
0x7a: {  	[sflag:s28] =	ssyncadd.s32 $0xFFFFFE60  }
0x7b: {  	_ =	swait.ge [sflag:s28], $0x1A0  }
0x7c: {  	[sflag:s28] =	ssyncset.done $0x0  }
0x7d: {  	[sflag:s28] =	ssyncadd.s32 $0xFFFFFE60  }
0x7e: {  	[tilespmem:s29], [sflag:$0x4] =	stream.indirect.gather [hbm4b:s14+s23], $0x20, s23, s23, $0xb8;
	[tilespmem:$0x1FD80] =	vst v63  }
0x7f: {  	_ =	swait.ge [sflag:s30], $0x3400  }
0x80: {  	[sflag:s30] =	ssyncset.done $0x0  }
0x81: {  	s7 =	sadd.s32 $0x1A00, s7;
	[sflag:s30] =	ssyncadd.s32 $0xFFFFCC00  }
0x82: {  	[tilespmem:s3], [sflag:$0x1] =	stream.linear.gather [hbm4b:s7+s3], $0x1A0, $0x38;
	[tilespmem:$0x1FD80] =	vst v63  }
.Ltmp0:
0x83: {  	s6 =	sadd.s32 $0x1A00, s6;
	(pc) =	sbr.rel @p0 .LBB2_2-.Ltmp0, $4  }
0x84: {  	[tilespmem:s20], [sflag:$0x1] =	stream.linear.gather [hbm4b:s6+s3], $0x1A0, $0x38;
	[tilespmem:$0x1FD80] =	vst v63  }
0x85: {  	_ =	swait.ge [sflag:s31], $0x3400  }
0x86: {  	[sflag:s31] =	ssyncset.done $0x0  }
0x87: {  	[sflag:s31] =	ssyncadd.s32 $0xFFFFCC00  }
0x88: {  	[spmem:s1] =	stream.indirect.scatter.add.f32 [tilespmem:s29], [sflag:$0x6], $0x20, s25, s23, $0xb8;
	[tilespmem:$0x1FD80] =	vst v63  }
0x89: {  	_ =	swait.ge [sflag:s22], $0x1A0  }
0x8a: {  	[sflag:s22] =	ssyncset.done $0x0  }
0x8b: {  	[sflag:s22] =	ssyncadd.s32 $0xFFFFFE60  }
0x8c: {  	_ =	swait.ge [sflag:s22], $0x1A0  }
0x8d: {  	[sflag:s22] =	ssyncset.done $0x0  }
0x8e: {  	[sflag:s22] =	ssyncadd.s32 $0xFFFFFE60  }
0x8f: {  	[tilespmem:s24], [sflag:$0x3] =	stream.indirect.gather [hbm4b:s14+s23], $0x20, s3, s23, $0xb8;
	[tilespmem:$0x1FD80] =	vst v63  }
0x90: {  	_ =	swait.ge [sflag:s0], $0x3400  }
0x91: {  	[sflag:s0] =	ssyncset.done $0x0  }
0x92: {  	[sflag:s0] =	ssyncadd.s32 $0xFFFFCC00  }
0x93: {  	[tilespmem:s23], [sflag:$0x2] =	stream.linear.gather [hbm4b:s15+s3], $0x1A0, $0x38;
	[tilespmem:$0x1FD80] =	vst v63  }
0x94: {  	_ = 	snop  }
0x95: {  	[tilespmem:s25], [sflag:$0x2] =	stream.linear.gather [hbm4b:s16+s3], $0x1A0, $0x38;
	[tilespmem:$0x1FD80] =	vst v63  }
0x96: {  	_ =	swait.ge [sflag:s26], $0x3400  }
0x97: {  	[sflag:s26] =	ssyncset.done $0x0  }
0x98: {  	[sflag:s26] =	ssyncadd.s32 $0xFFFFCC00  }
0x99: {  	[spmem:s1] =	stream.indirect.scatter.add.f32 [tilespmem:s24], [sflag:$0x5], $0x20, s20, s23, $0xb8;
	[tilespmem:$0x1FD80] =	vst v63  }
0x9a: {  	_ =	swait.ge [sflag:s28], $0x1A0  }
0x9b: {  	[sflag:s28] =	ssyncset.done $0x0  }
0x9c: {  	[sflag:s28] =	ssyncadd.s32 $0xFFFFFE60  }
0x9d: {  	_ =	swait.ge [sflag:s28], $0x1A0  }
0x9e: {  	[sflag:s28] =	ssyncset.done $0x0  }
0x9f: {  	[sflag:s28] =	ssyncadd.s32 $0xFFFFFE60  }
0xa0: {  	[tilespmem:s29], [sflag:$0x4] =	stream.indirect.gather [hbm4b:s14+s23], $0x20, s23, s23, $0xb8;
	[tilespmem:$0x1FD80] =	vst v63  }
0xa1: {  	_ =	swait.ge [sflag:s30], $0x3400  }
0xa2: {  	[sflag:s30] =	ssyncset.done $0x0  }
0xa3: {  	[sflag:s30] =	ssyncadd.s32 $0xFFFFCC00  }
0xa4: {  	_ =	swait.ge [sflag:s31], $0x3400  }
0xa5: {  	[sflag:s31] =	ssyncset.done $0x0  }
0xa6: {  	[sflag:s31] =	ssyncadd.s32 $0xFFFFCC00  }
0xa7: {  	[spmem:s1] =	stream.indirect.scatter.add.f32 [tilespmem:s29], [sflag:$0x6], $0x20, s25, s23, $0xb8;
	[tilespmem:$0x1FD80] =	vst v63  }
0xa8: {  	_ =	swait.ge [sflag:s0], $0x3400  }
0xa9: {  	[sflag:s0] =	ssyncset.done $0x0  }
0xaa: {  	[sflag:s0] =	ssyncadd.s32 $0xFFFFCC00  }
0xab: {  	[bflag:$0x0] =	sbarrier.arrive $0xFFFF  }
0xac: {  	[hbm:s17], [sflag:s8] =	dma.local [spmem:s4], $0x31E0  }
0xad: {  	_ =	swait.ge [sflag:s21], $0x31E0  }
0xae: {  	s2 =	sadd.s32 $0x1, s2;
	s9 =	rddreg [dreg:$0x8]  }
0xaf: {  	p0 =	sne.s32 s2, s9  }
.Ltmp1:
0xb0: {  	_ = 	snop;
	(pc) =	sbr.rel @p0 .LBB2_1-.Ltmp1, $3  }
0xb1: {  	_ =	sdelay $0x1  }
0xb2: {  	[sflag:s21] =	ssyncset.done $0x0  }
0xb3: {  	[sflag:s21] =	ssyncadd.s32 $0xFFFFCE20  }
0xb4: {  	_ =	sfence.sel $0x180000  }
0xb5: {  	[bflag:$0x0] =	sbarrier.arrive $0xFFFF  }
0xb6: {  	_ =	strace $0x90000047  }
0xb7: {  	s0 =	stileid.u32;
	[bflag:$0x2] =	sbarrier.arrive $0xFFFF  }
0xb8: {  	p0 =	sne.s32 s0, $0x0;
	s0 =	rddreg [dreg:$0x3]  }
0xb9: {  	s0 =	sadd.s32 @!p0 $0x100000, s0  }
0xba: {  	[sflag:s0] =	ssyncadd.tile.s32 @!p0 $0x1;
	_ =	shalt  }
.Lfunc_end2:
_tile_overlayer_lowered:
.L_overlay_start_2:
0xbb: {  	(tag) =	ssettag $0x2  }
0xbc: {  	s0 =	rddreg [dreg:$0x0];
	s2 =	stileid.u32  }
0xbd: {  	s1 =	rddreg [dreg:$0x1];
	p0 =	sne.s32 s2, $0x0  }
0xbe: {  	s3 =	rddreg [dreg:$0x2];
	[bflag:$0x3] =	sbarrier.arrive $0xFFFF;
	s2 =	simm.s32 @!p0 $0x1C07  }
0xbf: {  	[timem:s3], [sflag:s2] =	dma.local @!p0 [hbm:s0], s1  }
0xc0: {  	s0 =	simm.s32 @!p0 $0x7  }
0xc1: {  	_ =	swait.ge @!p0 [sflag:s0], s1  }
0xc2: {  	s1 =	ssub.s32 @!p0 $0x0, s1;
	[sflag:s0] =	ssyncset.done @!p0 $0x0  }
0xc3: {  	[sflag:s0] =	ssyncadd.s32 @!p0 s1  }
0xc4: {  	[bflag:$0x3] =	sbarrier.arrive $0xFFFF  }
0xc5: {  	_ =	shalt  }

</sc_bundles>
